<compile_context>
chip_gen: v7x
topology: tpu7x:2x2x1
jax: 0.10.2.dev20260603
libtpu: 0.0.44.dev20260713+nightly
codegen_flags: <defaults>
</compile_context>

<pallas_src>
import dataclasses
import functools

import jax
import jax.numpy as jnp
from jax import lax
from jax.experimental import pallas as pl
from jax.experimental.pallas import tpu as pltpu
from jax.experimental.pallas import tpu_sc as plsc

N = 10000
E = 320000
IN = 128
HID = 256
OUT = 64

NC = 2
NS = 16
L = 16
CHUNK = 128
CPT = 79
EDGES_PER_TILE = CPT * CHUNK
E_PAD = NC * NS * EDGES_PER_TILE
ROWS_PER_TILE = 640
NROWS = NS * ROWS_PER_TILE
ZCOPIES = ROWS_PER_TILE // CHUNK

_MESH = plsc.VectorSubcoreMesh(core_axis_name="c", subcore_axis_name="s")

_SC_PARAMS = pltpu.CompilerParams()
if "needs_layout_passes" in pltpu.CompilerParams.__dataclass_fields__:
    _SC_PARAMS = dataclasses.replace(_SC_PARAMS, needs_layout_passes=False)


def _sc_segsum_body(with_deg, x_hbm, src_hbm, dst_hbm, zf_hbm, zd_hbm,
                    s_out, d_out, src_a, dst_a, src_b, dst_b, rows_a, rows_b,
                    deg_v, acc_sh, sem_a, sem_b, isem_a, isem_b):
    c = lax.axis_index("c")
    s = lax.axis_index("s")
    r0 = s * ROWS_PER_TILE
    pltpu.sync_copy(zf_hbm, rows_a)
    for j in range(ZCOPIES):
        pltpu.sync_copy(rows_a, acc_sh.at[pl.ds(r0 + j * CHUNK, CHUNK)])
    if with_deg:
        pltpu.sync_copy(zd_hbm, deg_v)
    plsc.subcore_barrier()
    base = (c * NS + s) * EDGES_PER_TILE

    def load_idx(j, sbuf, dbuf):
        off = base + j * CHUNK
        pltpu.sync_copy(src_hbm.at[pl.ds(off, CHUNK)], sbuf)
        pltpu.sync_copy(dst_hbm.at[pl.ds(off, CHUNK)], dbuf)

    def issue_idx(j, sbuf, dbuf, isem):
        off = base + j * CHUNK
        pltpu.async_copy(src_hbm.at[pl.ds(off, CHUNK)], sbuf, isem)
        pltpu.async_copy(dst_hbm.at[pl.ds(off, CHUNK)], dbuf, isem)

    def wait_idx(sbuf, dbuf, isem):
        pltpu.make_async_copy(src_hbm.at[pl.ds(0, CHUNK)], sbuf, isem).wait()
        pltpu.make_async_copy(dst_hbm.at[pl.ds(0, CHUNK)], dbuf, isem).wait()

    def deg_update(dbuf):
        if with_deg:
            ones = jnp.ones((L,), jnp.float32)
            for k in range(CHUNK // L):
                plsc.addupdate_scatter(deg_v, [dbuf[pl.ds(k * L, L)]], ones)

    def issue_gather(sbuf, rbuf, sem):
        h = CHUNK // 2
        pltpu.async_copy(x_hbm.at[sbuf.at[pl.ds(0, h)]], rbuf.at[pl.ds(0, h)], sem)
        pltpu.async_copy(x_hbm.at[sbuf.at[pl.ds(h, h)]], rbuf.at[pl.ds(h, h)], sem)

    def wait_gather(sbuf, rbuf, sem):
        pltpu.make_async_copy(x_hbm.at[sbuf], rbuf, sem).wait()

    load_idx(0, src_a, dst_a)
    issue_gather(src_a, rows_a, sem_a)
    issue_idx(1, src_b, dst_b, isem_b)

    def step(k, sbufP, dbufP, rowsP, semP, sbufQ, dbufQ, rowsQ, semQ,
             isemP, isemQ):
        wait_idx(sbufQ, dbufQ, isemQ)
        issue_gather(sbufQ, rowsQ, semQ)
        wait_gather(sbufP, rowsP, semP)
        pltpu.sync_copy(rowsP, acc_sh.at[dbufP], add=True)
        deg_update(dbufP)

        @pl.when(k + 2 < CPT)
        def _():
            issue_idx(k + 2, sbufP, dbufP, isemP)

    def pair(it, carry):
        j = 2 * it
        step(j, src_a, dst_a, rows_a, sem_a, src_b, dst_b, rows_b, sem_b,
             isem_a, isem_b)
        step(j + 1, src_b, dst_b, rows_b, sem_b, src_a, dst_a, rows_a, sem_a,
             isem_b, isem_a)
        return carry

    lax.fori_loop(0, (CPT - 1) // 2, pair, 0)
    wait_gather(src_a, rows_a, sem_a)
    pltpu.sync_copy(rows_a, acc_sh.at[dst_a], add=True)
    deg_update(dst_a)
    plsc.subcore_barrier()
    for j in range(ZCOPIES):
        pltpu.sync_copy(acc_sh.at[pl.ds(r0 + j * CHUNK, CHUNK)], rows_a)
        pltpu.sync_copy(rows_a, s_out.at[c, pl.ds(r0 + j * CHUNK, CHUNK)])
    if with_deg:
        pltpu.sync_copy(deg_v, d_out.at[c, s])


@functools.partial(
    pl.kernel,
    out_type=(jax.ShapeDtypeStruct((NC, NROWS, IN), jnp.float32),
              jax.ShapeDtypeStruct((NC, NS, NROWS), jnp.float32)),
    mesh=_MESH,
    compiler_params=_SC_PARAMS,
    scratch_types=[
        pltpu.VMEM((CHUNK,), jnp.int32),
        pltpu.VMEM((CHUNK,), jnp.int32),
        pltpu.VMEM((CHUNK,), jnp.int32),
        pltpu.VMEM((CHUNK,), jnp.int32),
        pltpu.VMEM((CHUNK, IN), jnp.float32),
        pltpu.VMEM((CHUNK, IN), jnp.float32),
        pltpu.VMEM((NROWS,), jnp.float32),
        pltpu.VMEM_SHARED((NROWS, IN), jnp.float32),
        pltpu.SemaphoreType.DMA,
        pltpu.SemaphoreType.DMA,
        pltpu.SemaphoreType.DMA,
        pltpu.SemaphoreType.DMA,
    ],
)
def _sc_layer1(x_hbm, src_hbm, dst_hbm, zf_hbm, zd_hbm,
               s_out, d_out, src_a, dst_a, src_b, dst_b, rows_a, rows_b,
               deg_v, acc_sh, sem_a, sem_b, isem_a, isem_b):
    _sc_segsum_body(True, x_hbm, src_hbm, dst_hbm, zf_hbm, zd_hbm,
                    s_out, d_out, src_a, dst_a, src_b, dst_b, rows_a, rows_b,
                    deg_v, acc_sh, sem_a, sem_b, isem_a, isem_b)


@functools.partial(
    pl.kernel,
    out_type=jax.ShapeDtypeStruct((NC, NROWS, IN), jnp.float32),
    mesh=_MESH,
    compiler_params=_SC_PARAMS,
    scratch_types=[
        pltpu.VMEM((CHUNK,), jnp.int32),
        pltpu.VMEM((CHUNK,), jnp.int32),
        pltpu.VMEM((CHUNK,), jnp.int32),
        pltpu.VMEM((CHUNK,), jnp.int32),
        pltpu.VMEM((CHUNK, IN), jnp.float32),
        pltpu.VMEM((CHUNK, IN), jnp.float32),
        pltpu.VMEM_SHARED((NROWS, IN), jnp.float32),
        pltpu.SemaphoreType.DMA,
        pltpu.SemaphoreType.DMA,
        pltpu.SemaphoreType.DMA,
        pltpu.SemaphoreType.DMA,
    ],
)
def _sc_layer2(p_hbm, src_hbm, dst_hbm, zf_hbm,
               s_out, src_a, dst_a, src_b, dst_b, rows_a, rows_b,
               acc_sh, sem_a, sem_b, isem_a, isem_b):
    _sc_segsum_body(False, p_hbm, src_hbm, dst_hbm, zf_hbm, None,
                    s_out, None, src_a, dst_a, src_b, dst_b, rows_a, rows_b,
                    None, acc_sh, sem_a, sem_b, isem_a, isem_b)


R = 1024


def _tc1a_body(x_ref, w1r_ref, b1_ref, xr_ref):
    xr_ref[...] = b1_ref[...] + jnp.dot(x_ref[...], w1r_ref[...],
                                        preferred_element_type=jnp.float32)


_tc1a = pl.pallas_call(
    _tc1a_body,
    grid=(NROWS // R,),
    in_specs=[
        pl.BlockSpec((R, IN), lambda i: (i, 0)),
        pl.BlockSpec((IN, HID), lambda i: (0, 0)),
        pl.BlockSpec((1, HID), lambda i: (0, 0)),
    ],
    out_specs=pl.BlockSpec((R, HID), lambda i: (i, 0)),
    out_shape=jax.ShapeDtypeStruct((NROWS, HID), jnp.float32),
)


def _tc1_body(s1_ref, deg_ref, xr_ref, w1l_ref, w2l_ref, w2r_ref, pr_ref):
    sv = s1_ref[0] + s1_ref[1]
    deg = jnp.sum(deg_ref[...], axis=(0, 1))[:, None]
    agg = sv / jnp.maximum(deg, 1.0)
    h = jnp.dot(agg, w1l_ref[...], preferred_element_type=jnp.float32)
    h = jnp.maximum(h + xr_ref[...], 0.0)
    p = jnp.dot(h, w2l_ref[...], preferred_element_type=jnp.float32)
    r = jnp.dot(h, w2r_ref[...], preferred_element_type=jnp.float32)
    pr_ref[...] = jnp.concatenate([p, r], axis=1)


_tc1 = pl.pallas_call(
    _tc1_body,
    grid=(NROWS // R,),
    in_specs=[
        pl.BlockSpec((NC, R, IN), lambda i: (0, i, 0)),
        pl.BlockSpec((NC, NS, R), lambda i: (0, 0, i)),
        pl.BlockSpec((R, HID), lambda i: (i, 0)),
        pl.BlockSpec((IN, HID), lambda i: (0, 0)),
        pl.BlockSpec((HID, OUT), lambda i: (0, 0)),
        pl.BlockSpec((HID, OUT), lambda i: (0, 0)),
    ],
    out_specs=pl.BlockSpec((R, IN), lambda i: (i, 0)),
    out_shape=jax.ShapeDtypeStruct((NROWS, IN), jnp.float32),
)


def _tc2_body(s2_ref, deg_ref, pr_ref, b2_ref, o_ref):
    sv = s2_ref[0, :, 0:OUT] + s2_ref[1, :, 0:OUT]
    deg = jnp.sum(deg_ref[...], axis=(0, 1))[:, None]
    o = sv / jnp.maximum(deg, 1.0) + b2_ref[...] + pr_ref[:, OUT:IN]
    m = jnp.max(o, axis=1, keepdims=True)
    e = jnp.exp(o - m)
    o_ref[...] = (o - m) - jnp.log(jnp.sum(e, axis=1, keepdims=True))


_tc2 = pl.pallas_call(
    _tc2_body,
    grid=(NROWS // R,),
    in_specs=[
        pl.BlockSpec((NC, R, IN), lambda i: (0, i, 0)),
        pl.BlockSpec((NC, NS, R), lambda i: (0, 0, i)),
        pl.BlockSpec((R, IN), lambda i: (i, 0)),
        pl.BlockSpec((1, OUT), lambda i: (0, 0)),
    ],
    out_specs=pl.BlockSpec((R, OUT), lambda i: (i, 0)),
    out_shape=jax.ShapeDtypeStruct((NROWS, OUT), jnp.float32),
)


def kernel(x, edge_index, W1l, b1, W1r, W2l, b2, W2r):
    nt = NC * NS
    ppt = EDGES_PER_TILE - E // nt
    src = jnp.pad(edge_index[0].reshape(nt, E // nt),
                  ((0, 0), (0, ppt))).reshape(-1)
    dpad = jnp.broadcast_to(N + jnp.arange(ppt, dtype=jnp.int32), (nt, ppt))
    dst = jnp.concatenate(
        [edge_index[1].reshape(nt, E // nt), dpad], axis=1).reshape(-1)
    xp = jnp.pad(x, ((0, NROWS - N), (0, 0)))
    zf = jnp.zeros((CHUNK, IN), jnp.float32)
    zd = jnp.zeros((NROWS,), jnp.float32)
    xr = _tc1a(xp, W1r.T, b1.reshape(1, HID))
    s1, degp = _sc_layer1(xp, src, dst, zf, zd)
    pr = _tc1(s1, degp, xr, W1l.T, W2l.T, W2r.T)
    s2 = _sc_layer2(pr, src, dst, zf)
    return _tc2(s2, degp, pr, b2.reshape(1, OUT))[:N]

# --- scband reference (transcript-rebuilt; emitter-appended) ---
"""Pipeline reference for scband-mule-sage-32633161515581 (READ-ONLY COPY).

The authoritative reference and input builder live on the scoring server;
editing this copy changes nothing except your own understanding.
"""

import jax, jax.numpy as jnp
import numpy as np

N = 10000
E = 320000
IN = 128
HID = 256
OUT = 64


def setup_inputs(seed: int = 0) -> dict:
    key = jax.random.key(seed)
    ks = jax.random.split(key, 8)
    x = jax.random.normal(ks[0], (N, IN), dtype=jnp.float32)
    edge_index = jax.random.randint(ks[1], (2, E), 0, N, dtype=jnp.int32)
    # SAGEConv params: lin_l acts on aggregated neighbors (has bias), lin_r on root
    W1l = jax.random.normal(ks[2], (HID, IN), dtype=jnp.float32) / np.sqrt(IN)
    b1 = jnp.zeros((HID,), dtype=jnp.float32)
    W1r = jax.random.normal(ks[3], (HID, IN), dtype=jnp.float32) / np.sqrt(IN)
    W2l = jax.random.normal(ks[4], (OUT, HID), dtype=jnp.float32) / np.sqrt(HID)
    b2 = jnp.zeros((OUT,), dtype=jnp.float32)
    W2r = jax.random.normal(ks[5], (OUT, HID), dtype=jnp.float32) / np.sqrt(HID)
    return {"x": x, "edge_index": edge_index, "W1l": W1l, "b1": b1, "W1r": W1r,
            "W2l": W2l, "b2": b2, "W2r": W2r}


def _sage_conv(x, edge_index, Wl, b, Wr):
    src = edge_index[0]
    dst = edge_index[1]
    msgs = jnp.take(x, src, axis=0)  # gather source node features per edge
    s = jax.ops.segment_sum(msgs, dst, num_segments=N)
    deg = jax.ops.segment_sum(jnp.ones((edge_index.shape[1],), jnp.float32), dst, num_segments=N)
    agg = s / jnp.clip(deg, 1.0)[:, None]  # mean aggregation
    return agg @ Wl.T + b + x @ Wr.T


def reference(x, edge_index, W1l, b1, W1r, W2l, b2, W2r):
    h = _sage_conv(x, edge_index, W1l, b1, W1r)
    h = jax.nn.relu(h)
    o = _sage_conv(h, edge_index, W2l, b2, W2r)
    return jax.nn.log_softmax(o, axis=1)

if __name__ == "__main__":
    import jax
    _d = setup_inputs()
    print(jax.jit(kernel)(*tuple(_d.values())))

</pallas_src>

<mosaic_0001>
#map = affine_map<(d0, d1) -> (0, 0)>
#map1 = affine_map<(d0, d1) -> (0)>
#map2 = affine_map<(d0, d1) -> (0, 0, 0)>
module attributes {stable_mosaic.version = 14 : i64} {
  func.func @_sc_layer1(%arg0: i32, %arg1: i32, %arg2: memref<10240x128xf32, #tpu.memory_space<hbm>>, %arg3: memref<323584xi32, #tpu.memory_space<hbm>>, %arg4: memref<323584xi32, #tpu.memory_space<hbm>>, %arg5: memref<128x128xf32, #tpu.memory_space<hbm>>, %arg6: memref<10240xf32, #tpu.memory_space<hbm>>, %arg7: memref<2x10240x128xf32, #tpu.memory_space<hbm>>, %arg8: memref<2x16x10240xf32, #tpu.memory_space<hbm>>, %arg9: memref<128xi32, #tpu.memory_space<vmem>>, %arg10: memref<128xi32, #tpu.memory_space<vmem>>, %arg11: memref<128xi32, #tpu.memory_space<vmem>>, %arg12: memref<128xi32, #tpu.memory_space<vmem>>, %arg13: memref<128x128xf32, #tpu.memory_space<vmem>>, %arg14: memref<128x128xf32, #tpu.memory_space<vmem>>, %arg15: memref<10240xf32, #tpu.memory_space<vmem>>, %arg16: memref<10240x128xf32, #tpu.memory_space<vmem_shared>>, %arg17: memref<!tpu.dma_semaphore, #tpu.memory_space<semaphore_mem>>, %arg18: memref<!tpu.dma_semaphore, #tpu.memory_space<semaphore_mem>>, %arg19: memref<!tpu.dma_semaphore, #tpu.memory_space<semaphore_mem>>, %arg20: memref<!tpu.dma_semaphore, #tpu.memory_space<semaphore_mem>>) attributes {dimension_semantics = [#tpu.dimension_semantics<core_parallel>, #tpu.dimension_semantics<subcore_parallel>], iteration_bounds = array<i64: 2, 16>, scalar_prefetch = 0 : i64, scratch_operands = 12 : i64, tpu.core_type = #tpu.core_type<sc_vector_subcore>, window_params = [{transform_indices = #map}, {transform_indices = #map1}, {transform_indices = #map1}, {transform_indices = #map}, {transform_indices = #map1}, {transform_indices = #map2}, {transform_indices = #map2}]} {
    %mul3A = arith.constant 640 : i32
    %mul3A_0 = arith.muli %arg1, %mul3A : i32
    "tpu.region"() ({
      %run_scoped3A = tpu.sem_alloc : memref<!tpu.dma_semaphore, #tpu.memory_space<semaphore_mem>>
      tpu.enqueue_dma source(%arg5 : memref<128x128xf32, #tpu.memory_space<hbm>>) target(%arg13 : memref<128x128xf32, #tpu.memory_space<vmem>>) target_semaphore(%run_scoped3A : memref<!tpu.dma_semaphore, #tpu.memory_space<semaphore_mem>>)
      tpu.wait_dma2 semaphore(%run_scoped3A : memref<!tpu.dma_semaphore, #tpu.memory_space<semaphore_mem>>) src(%arg5 : memref<128x128xf32, #tpu.memory_space<hbm>>) dst(%arg13 : memref<128x128xf32, #tpu.memory_space<vmem>>)
      tpu.yield
    }) : () -> ()
    %add3A = arith.constant 0 : i32
    %add3A_1 = arith.addi %mul3A_0, %add3A : i32
    "tpu.region"() ({
      %run_scoped3A = tpu.sem_alloc : memref<!tpu.dma_semaphore, #tpu.memory_space<semaphore_mem>>
      %dma_start3A_82 = arith.constant 0 : i32
      %dma_start3A_83 = tpu.memref_slice %arg16[%add3A_1, %dma_start3A_82] : memref<10240x128xf32, #tpu.memory_space<vmem_shared>> -> memref<128x128xf32, #tpu.memory_space<vmem_shared>>
      %dma_start3A_84 = arith.constant 0 : i32
      %dma_start3A_85 = tpu.memref_slice %arg16[%add3A_1, %dma_start3A_84] : memref<10240x128xf32, #tpu.memory_space<vmem_shared>> -> memref<128x128xf32, #tpu.memory_space<vmem_shared>>
      tpu.enqueue_dma source(%arg13 : memref<128x128xf32, #tpu.memory_space<vmem>>) target(%dma_start3A_85 : memref<128x128xf32, #tpu.memory_space<vmem_shared>>) target_semaphore(%run_scoped3A : memref<!tpu.dma_semaphore, #tpu.memory_space<semaphore_mem>>)
      %dma_wait3A_86 = arith.constant 0 : i32
      %dma_wait3A_87 = tpu.memref_slice %arg16[%add3A_1, %dma_wait3A_86] : memref<10240x128xf32, #tpu.memory_space<vmem_shared>> -> memref<128x128xf32, #tpu.memory_space<vmem_shared>>
      %dma_wait3A_88 = arith.constant 0 : i32
      %dma_wait3A_89 = tpu.memref_slice %arg16[%add3A_1, %dma_wait3A_88] : memref<10240x128xf32, #tpu.memory_space<vmem_shared>> -> memref<128x128xf32, #tpu.memory_space<vmem_shared>>
      tpu.wait_dma2 semaphore(%run_scoped3A : memref<!tpu.dma_semaphore, #tpu.memory_space<semaphore_mem>>) src(%arg13 : memref<128x128xf32, #tpu.memory_space<vmem>>) dst(%dma_wait3A_89 : memref<128x128xf32, #tpu.memory_space<vmem_shared>>)
      tpu.yield
    }) : () -> ()
    %add3A_2 = arith.constant 128 : i32
    %add3A_3 = arith.addi %mul3A_0, %add3A_2 : i32
    "tpu.region"() ({
      %run_scoped3A = tpu.sem_alloc : memref<!tpu.dma_semaphore, #tpu.memory_space<semaphore_mem>>
      %dma_start3A_82 = arith.constant 0 : i32
      %dma_start3A_83 = tpu.memref_slice %arg16[%add3A_3, %dma_start3A_82] : memref<10240x128xf32, #tpu.memory_space<vmem_shared>> -> memref<128x128xf32, #tpu.memory_space<vmem_shared>>
      %dma_start3A_84 = arith.constant 0 : i32
      %dma_start3A_85 = tpu.memref_slice %arg16[%add3A_3, %dma_start3A_84] : memref<10240x128xf32, #tpu.memory_space<vmem_shared>> -> memref<128x128xf32, #tpu.memory_space<vmem_shared>>
      tpu.enqueue_dma source(%arg13 : memref<128x128xf32, #tpu.memory_space<vmem>>) target(%dma_start3A_85 : memref<128x128xf32, #tpu.memory_space<vmem_shared>>) target_semaphore(%run_scoped3A : memref<!tpu.dma_semaphore, #tpu.memory_space<semaphore_mem>>)
      %dma_wait3A_86 = arith.constant 0 : i32
      %dma_wait3A_87 = tpu.memref_slice %arg16[%add3A_3, %dma_wait3A_86] : memref<10240x128xf32, #tpu.memory_space<vmem_shared>> -> memref<128x128xf32, #tpu.memory_space<vmem_shared>>
      %dma_wait3A_88 = arith.constant 0 : i32
      %dma_wait3A_89 = tpu.memref_slice %arg16[%add3A_3, %dma_wait3A_88] : memref<10240x128xf32, #tpu.memory_space<vmem_shared>> -> memref<128x128xf32, #tpu.memory_space<vmem_shared>>
      tpu.wait_dma2 semaphore(%run_scoped3A : memref<!tpu.dma_semaphore, #tpu.memory_space<semaphore_mem>>) src(%arg13 : memref<128x128xf32, #tpu.memory_space<vmem>>) dst(%dma_wait3A_89 : memref<128x128xf32, #tpu.memory_space<vmem_shared>>)
      tpu.yield
    }) : () -> ()
    %add3A_4 = arith.constant 256 : i32
    %add3A_5 = arith.addi %mul3A_0, %add3A_4 : i32
    "tpu.region"() ({
      %run_scoped3A = tpu.sem_alloc : memref<!tpu.dma_semaphore, #tpu.memory_space<semaphore_mem>>
      %dma_start3A_82 = arith.constant 0 : i32
      %dma_start3A_83 = tpu.memref_slice %arg16[%add3A_5, %dma_start3A_82] : memref<10240x128xf32, #tpu.memory_space<vmem_shared>> -> memref<128x128xf32, #tpu.memory_space<vmem_shared>>
      %dma_start3A_84 = arith.constant 0 : i32
      %dma_start3A_85 = tpu.memref_slice %arg16[%add3A_5, %dma_start3A_84] : memref<10240x128xf32, #tpu.memory_space<vmem_shared>> -> memref<128x128xf32, #tpu.memory_space<vmem_shared>>
      tpu.enqueue_dma source(%arg13 : memref<128x128xf32, #tpu.memory_space<vmem>>) target(%dma_start3A_85 : memref<128x128xf32, #tpu.memory_space<vmem_shared>>) target_semaphore(%run_scoped3A : memref<!tpu.dma_semaphore, #tpu.memory_space<semaphore_mem>>)
      %dma_wait3A_86 = arith.constant 0 : i32
      %dma_wait3A_87 = tpu.memref_slice %arg16[%add3A_5, %dma_wait3A_86] : memref<10240x128xf32, #tpu.memory_space<vmem_shared>> -> memref<128x128xf32, #tpu.memory_space<vmem_shared>>
      %dma_wait3A_88 = arith.constant 0 : i32
      %dma_wait3A_89 = tpu.memref_slice %arg16[%add3A_5, %dma_wait3A_88] : memref<10240x128xf32, #tpu.memory_space<vmem_shared>> -> memref<128x128xf32, #tpu.memory_space<vmem_shared>>
      tpu.wait_dma2 semaphore(%run_scoped3A : memref<!tpu.dma_semaphore, #tpu.memory_space<semaphore_mem>>) src(%arg13 : memref<128x128xf32, #tpu.memory_space<vmem>>) dst(%dma_wait3A_89 : memref<128x128xf32, #tpu.memory_space<vmem_shared>>)
      tpu.yield
    }) : () -> ()
    %add3A_6 = arith.constant 384 : i32
    %add3A_7 = arith.addi %mul3A_0, %add3A_6 : i32
    "tpu.region"() ({
      %run_scoped3A = tpu.sem_alloc : memref<!tpu.dma_semaphore, #tpu.memory_space<semaphore_mem>>
      %dma_start3A_82 = arith.constant 0 : i32
      %dma_start3A_83 = tpu.memref_slice %arg16[%add3A_7, %dma_start3A_82] : memref<10240x128xf32, #tpu.memory_space<vmem_shared>> -> memref<128x128xf32, #tpu.memory_space<vmem_shared>>
      %dma_start3A_84 = arith.constant 0 : i32
      %dma_start3A_85 = tpu.memref_slice %arg16[%add3A_7, %dma_start3A_84] : memref<10240x128xf32, #tpu.memory_space<vmem_shared>> -> memref<128x128xf32, #tpu.memory_space<vmem_shared>>
      tpu.enqueue_dma source(%arg13 : memref<128x128xf32, #tpu.memory_space<vmem>>) target(%dma_start3A_85 : memref<128x128xf32, #tpu.memory_space<vmem_shared>>) target_semaphore(%run_scoped3A : memref<!tpu.dma_semaphore, #tpu.memory_space<semaphore_mem>>)
      %dma_wait3A_86 = arith.constant 0 : i32
      %dma_wait3A_87 = tpu.memref_slice %arg16[%add3A_7, %dma_wait3A_86] : memref<10240x128xf32, #tpu.memory_space<vmem_shared>> -> memref<128x128xf32, #tpu.memory_space<vmem_shared>>
      %dma_wait3A_88 = arith.constant 0 : i32
      %dma_wait3A_89 = tpu.memref_slice %arg16[%add3A_7, %dma_wait3A_88] : memref<10240x128xf32, #tpu.memory_space<vmem_shared>> -> memref<128x128xf32, #tpu.memory_space<vmem_shared>>
      tpu.wait_dma2 semaphore(%run_scoped3A : memref<!tpu.dma_semaphore, #tpu.memory_space<semaphore_mem>>) src(%arg13 : memref<128x128xf32, #tpu.memory_space<vmem>>) dst(%dma_wait3A_89 : memref<128x128xf32, #tpu.memory_space<vmem_shared>>)
      tpu.yield
    }) : () -> ()
    %add3A_8 = arith.constant 512 : i32
    %add3A_9 = arith.addi %mul3A_0, %add3A_8 : i32
    "tpu.region"() ({
      %run_scoped3A = tpu.sem_alloc : memref<!tpu.dma_semaphore, #tpu.memory_space<semaphore_mem>>
      %dma_start3A_82 = arith.constant 0 : i32
      %dma_start3A_83 = tpu.memref_slice %arg16[%add3A_9, %dma_start3A_82] : memref<10240x128xf32, #tpu.memory_space<vmem_shared>> -> memref<128x128xf32, #tpu.memory_space<vmem_shared>>
      %dma_start3A_84 = arith.constant 0 : i32
      %dma_start3A_85 = tpu.memref_slice %arg16[%add3A_9, %dma_start3A_84] : memref<10240x128xf32, #tpu.memory_space<vmem_shared>> -> memref<128x128xf32, #tpu.memory_space<vmem_shared>>
      tpu.enqueue_dma source(%arg13 : memref<128x128xf32, #tpu.memory_space<vmem>>) target(%dma_start3A_85 : memref<128x128xf32, #tpu.memory_space<vmem_shared>>) target_semaphore(%run_scoped3A : memref<!tpu.dma_semaphore, #tpu.memory_space<semaphore_mem>>)
      %dma_wait3A_86 = arith.constant 0 : i32
      %dma_wait3A_87 = tpu.memref_slice %arg16[%add3A_9, %dma_wait3A_86] : memref<10240x128xf32, #tpu.memory_space<vmem_shared>> -> memref<128x128xf32, #tpu.memory_space<vmem_shared>>
      %dma_wait3A_88 = arith.constant 0 : i32
      %dma_wait3A_89 = tpu.memref_slice %arg16[%add3A_9, %dma_wait3A_88] : memref<10240x128xf32, #tpu.memory_space<vmem_shared>> -> memref<128x128xf32, #tpu.memory_space<vmem_shared>>
      tpu.wait_dma2 semaphore(%run_scoped3A : memref<!tpu.dma_semaphore, #tpu.memory_space<semaphore_mem>>) src(%arg13 : memref<128x128xf32, #tpu.memory_space<vmem>>) dst(%dma_wait3A_89 : memref<128x128xf32, #tpu.memory_space<vmem_shared>>)
      tpu.yield
    }) : () -> ()
    "tpu.region"() ({
      %run_scoped3A = tpu.sem_alloc : memref<!tpu.dma_semaphore, #tpu.memory_space<semaphore_mem>>
      tpu.enqueue_dma source(%arg6 : memref<10240xf32, #tpu.memory_space<hbm>>) target(%arg15 : memref<10240xf32, #tpu.memory_space<vmem>>) target_semaphore(%run_scoped3A : memref<!tpu.dma_semaphore, #tpu.memory_space<semaphore_mem>>)
      tpu.wait_dma2 semaphore(%run_scoped3A : memref<!tpu.dma_semaphore, #tpu.memory_space<semaphore_mem>>) src(%arg6 : memref<10240xf32, #tpu.memory_space<hbm>>) dst(%arg15 : memref<10240xf32, #tpu.memory_space<vmem>>)
      tpu.yield
    }) : () -> ()
    %barrier3A = arith.constant 0 : index
    tpu.barrier barrier_id(%barrier3A)
    %mul3A_10 = arith.constant 16 : i32
    %mul3A_11 = arith.muli %arg0, %mul3A_10 : i32
    %add3A_12 = arith.addi %mul3A_11, %arg1 : i32
    %mul3A_13 = arith.constant 10112 : i32
    %mul3A_14 = arith.muli %add3A_12, %mul3A_13 : i32
    %add3A_15 = arith.constant 0 : i32
    %add3A_16 = arith.addi %mul3A_14, %add3A_15 : i32
    "tpu.region"() ({
      %run_scoped3A = tpu.sem_alloc : memref<!tpu.dma_semaphore, #tpu.memory_space<semaphore_mem>>
      %dma_start3A_82 = tpu.memref_slice %arg3[%add3A_16] : memref<323584xi32, #tpu.memory_space<hbm>> -> memref<128xi32, #tpu.memory_space<hbm>>
      %dma_start3A_83 = tpu.memref_slice %arg3[%add3A_16] : memref<323584xi32, #tpu.memory_space<hbm>> -> memref<128xi32, #tpu.memory_space<hbm>>
      tpu.enqueue_dma source(%dma_start3A_83 : memref<128xi32, #tpu.memory_space<hbm>>) target(%arg9 : memref<128xi32, #tpu.memory_space<vmem>>) target_semaphore(%run_scoped3A : memref<!tpu.dma_semaphore, #tpu.memory_space<semaphore_mem>>)
      %dma_wait3A_84 = tpu.memref_slice %arg3[%add3A_16] : memref<323584xi32, #tpu.memory_space<hbm>> -> memref<128xi32, #tpu.memory_space<hbm>>
      %dma_wait3A_85 = tpu.memref_slice %arg3[%add3A_16] : memref<323584xi32, #tpu.memory_space<hbm>> -> memref<128xi32, #tpu.memory_space<hbm>>
      tpu.wait_dma2 semaphore(%run_scoped3A : memref<!tpu.dma_semaphore, #tpu.memory_space<semaphore_mem>>) src(%dma_wait3A_85 : memref<128xi32, #tpu.memory_space<hbm>>) dst(%arg9 : memref<128xi32, #tpu.memory_space<vmem>>)
      tpu.yield
    }) : () -> ()
    "tpu.region"() ({
      %run_scoped3A = tpu.sem_alloc : memref<!tpu.dma_semaphore, #tpu.memory_space<semaphore_mem>>
      %dma_start3A_82 = tpu.memref_slice %arg4[%add3A_16] : memref<323584xi32, #tpu.memory_space<hbm>> -> memref<128xi32, #tpu.memory_space<hbm>>
      %dma_start3A_83 = tpu.memref_slice %arg4[%add3A_16] : memref<323584xi32, #tpu.memory_space<hbm>> -> memref<128xi32, #tpu.memory_space<hbm>>
      tpu.enqueue_dma source(%dma_start3A_83 : memref<128xi32, #tpu.memory_space<hbm>>) target(%arg10 : memref<128xi32, #tpu.memory_space<vmem>>) target_semaphore(%run_scoped3A : memref<!tpu.dma_semaphore, #tpu.memory_space<semaphore_mem>>)
      %dma_wait3A_84 = tpu.memref_slice %arg4[%add3A_16] : memref<323584xi32, #tpu.memory_space<hbm>> -> memref<128xi32, #tpu.memory_space<hbm>>
      %dma_wait3A_85 = tpu.memref_slice %arg4[%add3A_16] : memref<323584xi32, #tpu.memory_space<hbm>> -> memref<128xi32, #tpu.memory_space<hbm>>
      tpu.wait_dma2 semaphore(%run_scoped3A : memref<!tpu.dma_semaphore, #tpu.memory_space<semaphore_mem>>) src(%dma_wait3A_85 : memref<128xi32, #tpu.memory_space<hbm>>) dst(%arg10 : memref<128xi32, #tpu.memory_space<vmem>>)
      tpu.yield
    }) : () -> ()
    %dma_start3A = arith.constant 0 : i32
    %dma_start3A_17 = arith.constant 0 : i32
    %dma_start3A_18 = tpu.memref_slice %arg13[%dma_start3A, %dma_start3A_17] : memref<128x128xf32, #tpu.memory_space<vmem>> -> memref<64x128xf32, #tpu.memory_space<vmem>>
    %dma_start3A_19 = arith.constant 0 : i32
    %dma_start3A_20 = tpu.memref_slice %arg9[%dma_start3A_19] : memref<128xi32, #tpu.memory_space<vmem>> -> memref<64xi32, #tpu.memory_space<vmem>>
    %dma_start3A_21 = arith.constant 0 : i32
    %dma_start3A_22 = arith.constant 0 : i32
    %dma_start3A_23 = tpu.memref_slice %arg2[%dma_start3A_21, %dma_start3A_22] : memref<10240x128xf32, #tpu.memory_space<hbm>> -> memref<10240x128xf32, #tpu.memory_space<hbm>>
    tpu.enqueue_indirect_dma source(%dma_start3A_23 : memref<10240x128xf32, #tpu.memory_space<hbm>>) target(%dma_start3A_18 : memref<64x128xf32, #tpu.memory_space<vmem>>) offsets(%dma_start3A_20 : memref<64xi32, #tpu.memory_space<vmem>>) semaphore(%arg17 : memref<!tpu.dma_semaphore, #tpu.memory_space<semaphore_mem>>)
    %dma_start3A_24 = arith.constant 64 : i32
    %dma_start3A_25 = arith.constant 0 : i32
    %dma_start3A_26 = tpu.memref_slice %arg13[%dma_start3A_24, %dma_start3A_25] : memref<128x128xf32, #tpu.memory_space<vmem>> -> memref<64x128xf32, #tpu.memory_space<vmem>>
    %dma_start3A_27 = arith.constant 64 : i32
    %dma_start3A_28 = tpu.memref_slice %arg9[%dma_start3A_27] : memref<128xi32, #tpu.memory_space<vmem>> -> memref<64xi32, #tpu.memory_space<vmem>>
    %dma_start3A_29 = arith.constant 0 : i32
    %dma_start3A_30 = arith.constant 0 : i32
    %dma_start3A_31 = tpu.memref_slice %arg2[%dma_start3A_29, %dma_start3A_30] : memref<10240x128xf32, #tpu.memory_space<hbm>> -> memref<10240x128xf32, #tpu.memory_space<hbm>>
    tpu.enqueue_indirect_dma source(%dma_start3A_31 : memref<10240x128xf32, #tpu.memory_space<hbm>>) target(%dma_start3A_26 : memref<64x128xf32, #tpu.memory_space<vmem>>) offsets(%dma_start3A_28 : memref<64xi32, #tpu.memory_space<vmem>>) semaphore(%arg17 : memref<!tpu.dma_semaphore, #tpu.memory_space<semaphore_mem>>)
    %add3A_32 = arith.constant 128 : i32
    %add3A_33 = arith.addi %mul3A_14, %add3A_32 : i32
    %dma_start3A_34 = tpu.memref_slice %arg3[%add3A_33] : memref<323584xi32, #tpu.memory_space<hbm>> -> memref<128xi32, #tpu.memory_space<hbm>>
    %dma_start3A_35 = tpu.memref_slice %arg3[%add3A_33] : memref<323584xi32, #tpu.memory_space<hbm>> -> memref<128xi32, #tpu.memory_space<hbm>>
    tpu.enqueue_dma source(%dma_start3A_35 : memref<128xi32, #tpu.memory_space<hbm>>) target(%arg11 : memref<128xi32, #tpu.memory_space<vmem>>) target_semaphore(%arg20 : memref<!tpu.dma_semaphore, #tpu.memory_space<semaphore_mem>>)
    %dma_start3A_36 = tpu.memref_slice %arg4[%add3A_33] : memref<323584xi32, #tpu.memory_space<hbm>> -> memref<128xi32, #tpu.memory_space<hbm>>
    %dma_start3A_37 = tpu.memref_slice %arg4[%add3A_33] : memref<323584xi32, #tpu.memory_space<hbm>> -> memref<128xi32, #tpu.memory_space<hbm>>
    tpu.enqueue_dma source(%dma_start3A_37 : memref<128xi32, #tpu.memory_space<hbm>>) target(%arg12 : memref<128xi32, #tpu.memory_space<vmem>>) target_semaphore(%arg20 : memref<!tpu.dma_semaphore, #tpu.memory_space<semaphore_mem>>)
    %scan3A = arith.constant 0 : i32
    %scan3A_38 = arith.constant 0 : i32
    %scan3A_39 = arith.constant 39 : i32
    %scan3A_40 = arith.addi %scan3A_38, %scan3A_39 : i32
    %scan3A_41 = arith.constant 1 : i32
    scf.for %scan3A_82 = %scan3A_38 to %scan3A_40 step %scan3A_41  : i32 {
      %mul3A_83 = arith.constant 2 : i32
      %mul3A_84 = arith.muli %mul3A_83, %scan3A_82 : i32
      %dma_wait3A_85 = arith.constant 0 : i32
      %dma_wait3A_86 = tpu.memref_slice %arg3[%dma_wait3A_85] : memref<323584xi32, #tpu.memory_space<hbm>> -> memref<128xi32, #tpu.memory_space<hbm>>
      %dma_wait3A_87 = arith.constant 0 : i32
      %dma_wait3A_88 = tpu.memref_slice %arg3[%dma_wait3A_87] : memref<323584xi32, #tpu.memory_space<hbm>> -> memref<128xi32, #tpu.memory_space<hbm>>
      tpu.wait_dma2 semaphore(%arg20 : memref<!tpu.dma_semaphore, #tpu.memory_space<semaphore_mem>>) src(%dma_wait3A_88 : memref<128xi32, #tpu.memory_space<hbm>>) dst(%arg11 : memref<128xi32, #tpu.memory_space<vmem>>)
      %dma_wait3A_89 = arith.constant 0 : i32
      %dma_wait3A_90 = tpu.memref_slice %arg4[%dma_wait3A_89] : memref<323584xi32, #tpu.memory_space<hbm>> -> memref<128xi32, #tpu.memory_space<hbm>>
      %dma_wait3A_91 = arith.constant 0 : i32
      %dma_wait3A_92 = tpu.memref_slice %arg4[%dma_wait3A_91] : memref<323584xi32, #tpu.memory_space<hbm>> -> memref<128xi32, #tpu.memory_space<hbm>>
      tpu.wait_dma2 semaphore(%arg20 : memref<!tpu.dma_semaphore, #tpu.memory_space<semaphore_mem>>) src(%dma_wait3A_92 : memref<128xi32, #tpu.memory_space<hbm>>) dst(%arg12 : memref<128xi32, #tpu.memory_space<vmem>>)
      %dma_start3A_93 = arith.constant 0 : i32
      %dma_start3A_94 = arith.constant 0 : i32
      %dma_start3A_95 = tpu.memref_slice %arg14[%dma_start3A_93, %dma_start3A_94] : memref<128x128xf32, #tpu.memory_space<vmem>> -> memref<64x128xf32, #tpu.memory_space<vmem>>
      %dma_start3A_96 = arith.constant 0 : i32
      %dma_start3A_97 = tpu.memref_slice %arg11[%dma_start3A_96] : memref<128xi32, #tpu.memory_space<vmem>> -> memref<64xi32, #tpu.memory_space<vmem>>
      %dma_start3A_98 = arith.constant 0 : i32
      %dma_start3A_99 = arith.constant 0 : i32
      %dma_start3A_100 = tpu.memref_slice %arg2[%dma_start3A_98, %dma_start3A_99] : memref<10240x128xf32, #tpu.memory_space<hbm>> -> memref<10240x128xf32, #tpu.memory_space<hbm>>
      tpu.enqueue_indirect_dma source(%dma_start3A_100 : memref<10240x128xf32, #tpu.memory_space<hbm>>) target(%dma_start3A_95 : memref<64x128xf32, #tpu.memory_space<vmem>>) offsets(%dma_start3A_97 : memref<64xi32, #tpu.memory_space<vmem>>) semaphore(%arg18 : memref<!tpu.dma_semaphore, #tpu.memory_space<semaphore_mem>>)
      %dma_start3A_101 = arith.constant 64 : i32
      %dma_start3A_102 = arith.constant 0 : i32
      %dma_start3A_103 = tpu.memref_slice %arg14[%dma_start3A_101, %dma_start3A_102] : memref<128x128xf32, #tpu.memory_space<vmem>> -> memref<64x128xf32, #tpu.memory_space<vmem>>
      %dma_start3A_104 = arith.constant 64 : i32
      %dma_start3A_105 = tpu.memref_slice %arg11[%dma_start3A_104] : memref<128xi32, #tpu.memory_space<vmem>> -> memref<64xi32, #tpu.memory_space<vmem>>
      %dma_start3A_106 = arith.constant 0 : i32
      %dma_start3A_107 = arith.constant 0 : i32
      %dma_start3A_108 = tpu.memref_slice %arg2[%dma_start3A_106, %dma_start3A_107] : memref<10240x128xf32, #tpu.memory_space<hbm>> -> memref<10240x128xf32, #tpu.memory_space<hbm>>
      tpu.enqueue_indirect_dma source(%dma_start3A_108 : memref<10240x128xf32, #tpu.memory_space<hbm>>) target(%dma_start3A_103 : memref<64x128xf32, #tpu.memory_space<vmem>>) offsets(%dma_start3A_105 : memref<64xi32, #tpu.memory_space<vmem>>) semaphore(%arg18 : memref<!tpu.dma_semaphore, #tpu.memory_space<semaphore_mem>>)
      %dma_wait3A_109 = arith.constant 0 : i32
      %dma_wait3A_110 = arith.constant 0 : i32
      %dma_wait3A_111 = tpu.memref_slice %arg2[%dma_wait3A_109, %dma_wait3A_110] : memref<10240x128xf32, #tpu.memory_space<hbm>> -> memref<10240x128xf32, #tpu.memory_space<hbm>>
      tpu.wait_indirect_dma semaphore(%arg17 : memref<!tpu.dma_semaphore, #tpu.memory_space<semaphore_mem>>) src(%dma_wait3A_111 : memref<10240x128xf32, #tpu.memory_space<hbm>>) dst(%arg13 : memref<128x128xf32, #tpu.memory_space<vmem>>)
      "tpu.region"() ({
        %run_scoped3A = tpu.sem_alloc : memref<!tpu.dma_semaphore, #tpu.memory_space<semaphore_mem>>
        %dma_start3A_188 = arith.constant 0 : i32
        %dma_start3A_189 = arith.constant 0 : i32
        %dma_start3A_190 = tpu.memref_slice %arg16[%dma_start3A_188, %dma_start3A_189] : memref<10240x128xf32, #tpu.memory_space<vmem_shared>> -> memref<10240x128xf32, #tpu.memory_space<vmem_shared>>
        tpu.enqueue_indirect_dma source(%arg13 : memref<128x128xf32, #tpu.memory_space<vmem>>) target(%dma_start3A_190 : memref<10240x128xf32, #tpu.memory_space<vmem_shared>>) offsets(%arg10 : memref<128xi32, #tpu.memory_space<vmem>>) semaphore(%run_scoped3A : memref<!tpu.dma_semaphore, #tpu.memory_space<semaphore_mem>>) {add = true}
        %dma_wait3A_191 = arith.constant 0 : i32
        %dma_wait3A_192 = arith.constant 0 : i32
        %dma_wait3A_193 = tpu.memref_slice %arg16[%dma_wait3A_191, %dma_wait3A_192] : memref<10240x128xf32, #tpu.memory_space<vmem_shared>> -> memref<10240x128xf32, #tpu.memory_space<vmem_shared>>
        tpu.wait_indirect_dma semaphore(%run_scoped3A : memref<!tpu.dma_semaphore, #tpu.memory_space<semaphore_mem>>) src(%arg13 : memref<128x128xf32, #tpu.memory_space<vmem>>) dst(%dma_wait3A_193 : memref<10240x128xf32, #tpu.memory_space<vmem_shared>>)
        tpu.yield
      }) : () -> ()
      %broadcast_in_dim3A_112 = arith.constant 1.000000e+00 : f32
      %broadcast_in_dim3A_113 = vector.broadcast %broadcast_in_dim3A_112 : f32 to vector<16xf32>
      %get3A_114 = arith.constant 0 : index
      %get3A_115 = tpu.vector_load %arg10[%get3A_114] {strides = array<i32>} : memref<128xi32, #tpu.memory_space<vmem>>, vector<16xi32>,
      tpu.vector_store_idx %arg15[%get3A_115], %broadcast_in_dim3A_113 {add = true} : memref<10240xf32, #tpu.memory_space<vmem>>[vector<16xi32>], vector<16xf32>,
      %get3A_116 = arith.constant 16 : index
      %get3A_117 = tpu.vector_load %arg10[%get3A_116] {strides = array<i32>} : memref<128xi32, #tpu.memory_space<vmem>>, vector<16xi32>,
      tpu.vector_store_idx %arg15[%get3A_117], %broadcast_in_dim3A_113 {add = true} : memref<10240xf32, #tpu.memory_space<vmem>>[vector<16xi32>], vector<16xf32>,
      %get3A_118 = arith.constant 32 : index
      %get3A_119 = tpu.vector_load %arg10[%get3A_118] {strides = array<i32>} : memref<128xi32, #tpu.memory_space<vmem>>, vector<16xi32>,
      tpu.vector_store_idx %arg15[%get3A_119], %broadcast_in_dim3A_113 {add = true} : memref<10240xf32, #tpu.memory_space<vmem>>[vector<16xi32>], vector<16xf32>,
      %get3A_120 = arith.constant 48 : index
      %get3A_121 = tpu.vector_load %arg10[%get3A_120] {strides = array<i32>} : memref<128xi32, #tpu.memory_space<vmem>>, vector<16xi32>,
      tpu.vector_store_idx %arg15[%get3A_121], %broadcast_in_dim3A_113 {add = true} : memref<10240xf32, #tpu.memory_space<vmem>>[vector<16xi32>], vector<16xf32>,
      %get3A_122 = arith.constant 64 : index
      %get3A_123 = tpu.vector_load %arg10[%get3A_122] {strides = array<i32>} : memref<128xi32, #tpu.memory_space<vmem>>, vector<16xi32>,
      tpu.vector_store_idx %arg15[%get3A_123], %broadcast_in_dim3A_113 {add = true} : memref<10240xf32, #tpu.memory_space<vmem>>[vector<16xi32>], vector<16xf32>,
      %get3A_124 = arith.constant 80 : index
      %get3A_125 = tpu.vector_load %arg10[%get3A_124] {strides = array<i32>} : memref<128xi32, #tpu.memory_space<vmem>>, vector<16xi32>,
      tpu.vector_store_idx %arg15[%get3A_125], %broadcast_in_dim3A_113 {add = true} : memref<10240xf32, #tpu.memory_space<vmem>>[vector<16xi32>], vector<16xf32>,
      %get3A_126 = arith.constant 96 : index
      %get3A_127 = tpu.vector_load %arg10[%get3A_126] {strides = array<i32>} : memref<128xi32, #tpu.memory_space<vmem>>, vector<16xi32>,
      tpu.vector_store_idx %arg15[%get3A_127], %broadcast_in_dim3A_113 {add = true} : memref<10240xf32, #tpu.memory_space<vmem>>[vector<16xi32>], vector<16xf32>,
      %get3A_128 = arith.constant 112 : index
      %get3A_129 = tpu.vector_load %arg10[%get3A_128] {strides = array<i32>} : memref<128xi32, #tpu.memory_space<vmem>>, vector<16xi32>,
      tpu.vector_store_idx %arg15[%get3A_129], %broadcast_in_dim3A_113 {add = true} : memref<10240xf32, #tpu.memory_space<vmem>>[vector<16xi32>], vector<16xf32>,
      %add3A_130 = arith.constant 2 : i32
      %add3A_131 = arith.addi %mul3A_84, %add3A_130 : i32
      %lt3A = arith.constant 79 : i32
      %lt3A_132 = arith.cmpi slt, %add3A_131, %lt3A : i32
      %convert_element_type3A = arith.extui %lt3A_132 : i1 to i32
      %cond3A = arith.constant 0 : i32
      %cond3A_133 = arith.cmpi ne, %convert_element_type3A, %cond3A : i32
      scf.if %cond3A_133 {
        %add3A_188 = arith.constant 2 : i32
        %add3A_189 = arith.addi %mul3A_84, %add3A_188 : i32
        %mul3A_190 = arith.constant 128 : i32
        %mul3A_191 = arith.muli %add3A_189, %mul3A_190 : i32
        %add3A_192 = arith.addi %mul3A_14, %mul3A_191 : i32
        %dma_start3A_193 = tpu.memref_slice %arg3[%add3A_192] : memref<323584xi32, #tpu.memory_space<hbm>> -> memref<128xi32, #tpu.memory_space<hbm>>
        %dma_start3A_194 = tpu.memref_slice %arg3[%add3A_192] : memref<323584xi32, #tpu.memory_space<hbm>> -> memref<128xi32, #tpu.memory_space<hbm>>
        tpu.enqueue_dma source(%dma_start3A_194 : memref<128xi32, #tpu.memory_space<hbm>>) target(%arg9 : memref<128xi32, #tpu.memory_space<vmem>>) target_semaphore(%arg19 : memref<!tpu.dma_semaphore, #tpu.memory_space<semaphore_mem>>)
        %dma_start3A_195 = tpu.memref_slice %arg4[%add3A_192] : memref<323584xi32, #tpu.memory_space<hbm>> -> memref<128xi32, #tpu.memory_space<hbm>>
        %dma_start3A_196 = tpu.memref_slice %arg4[%add3A_192] : memref<323584xi32, #tpu.memory_space<hbm>> -> memref<128xi32, #tpu.memory_space<hbm>>
        tpu.enqueue_dma source(%dma_start3A_196 : memref<128xi32, #tpu.memory_space<hbm>>) target(%arg10 : memref<128xi32, #tpu.memory_space<vmem>>) target_semaphore(%arg19 : memref<!tpu.dma_semaphore, #tpu.memory_space<semaphore_mem>>)
      } else {
      }
      %add3A_134 = arith.constant 1 : i32
      %add3A_135 = arith.addi %mul3A_84, %add3A_134 : i32
      %dma_wait3A_136 = arith.constant 0 : i32
      %dma_wait3A_137 = tpu.memref_slice %arg3[%dma_wait3A_136] : memref<323584xi32, #tpu.memory_space<hbm>> -> memref<128xi32, #tpu.memory_space<hbm>>
      %dma_wait3A_138 = arith.constant 0 : i32
      %dma_wait3A_139 = tpu.memref_slice %arg3[%dma_wait3A_138] : memref<323584xi32, #tpu.memory_space<hbm>> -> memref<128xi32, #tpu.memory_space<hbm>>
      tpu.wait_dma2 semaphore(%arg19 : memref<!tpu.dma_semaphore, #tpu.memory_space<semaphore_mem>>) src(%dma_wait3A_139 : memref<128xi32, #tpu.memory_space<hbm>>) dst(%arg9 : memref<128xi32, #tpu.memory_space<vmem>>)
      %dma_wait3A_140 = arith.constant 0 : i32
      %dma_wait3A_141 = tpu.memref_slice %arg4[%dma_wait3A_140] : memref<323584xi32, #tpu.memory_space<hbm>> -> memref<128xi32, #tpu.memory_space<hbm>>
      %dma_wait3A_142 = arith.constant 0 : i32
      %dma_wait3A_143 = tpu.memref_slice %arg4[%dma_wait3A_142] : memref<323584xi32, #tpu.memory_space<hbm>> -> memref<128xi32, #tpu.memory_space<hbm>>
      tpu.wait_dma2 semaphore(%arg19 : memref<!tpu.dma_semaphore, #tpu.memory_space<semaphore_mem>>) src(%dma_wait3A_143 : memref<128xi32, #tpu.memory_space<hbm>>) dst(%arg10 : memref<128xi32, #tpu.memory_space<vmem>>)
      %dma_start3A_144 = arith.constant 0 : i32
      %dma_start3A_145 = arith.constant 0 : i32
      %dma_start3A_146 = tpu.memref_slice %arg13[%dma_start3A_144, %dma_start3A_145] : memref<128x128xf32, #tpu.memory_space<vmem>> -> memref<64x128xf32, #tpu.memory_space<vmem>>
      %dma_start3A_147 = arith.constant 0 : i32
      %dma_start3A_148 = tpu.memref_slice %arg9[%dma_start3A_147] : memref<128xi32, #tpu.memory_space<vmem>> -> memref<64xi32, #tpu.memory_space<vmem>>
      %dma_start3A_149 = arith.constant 0 : i32
      %dma_start3A_150 = arith.constant 0 : i32
      %dma_start3A_151 = tpu.memref_slice %arg2[%dma_start3A_149, %dma_start3A_150] : memref<10240x128xf32, #tpu.memory_space<hbm>> -> memref<10240x128xf32, #tpu.memory_space<hbm>>
      tpu.enqueue_indirect_dma source(%dma_start3A_151 : memref<10240x128xf32, #tpu.memory_space<hbm>>) target(%dma_start3A_146 : memref<64x128xf32, #tpu.memory_space<vmem>>) offsets(%dma_start3A_148 : memref<64xi32, #tpu.memory_space<vmem>>) semaphore(%arg17 : memref<!tpu.dma_semaphore, #tpu.memory_space<semaphore_mem>>)
      %dma_start3A_152 = arith.constant 64 : i32
      %dma_start3A_153 = arith.constant 0 : i32
      %dma_start3A_154 = tpu.memref_slice %arg13[%dma_start3A_152, %dma_start3A_153] : memref<128x128xf32, #tpu.memory_space<vmem>> -> memref<64x128xf32, #tpu.memory_space<vmem>>
      %dma_start3A_155 = arith.constant 64 : i32
      %dma_start3A_156 = tpu.memref_slice %arg9[%dma_start3A_155] : memref<128xi32, #tpu.memory_space<vmem>> -> memref<64xi32, #tpu.memory_space<vmem>>
      %dma_start3A_157 = arith.constant 0 : i32
      %dma_start3A_158 = arith.constant 0 : i32
      %dma_start3A_159 = tpu.memref_slice %arg2[%dma_start3A_157, %dma_start3A_158] : memref<10240x128xf32, #tpu.memory_space<hbm>> -> memref<10240x128xf32, #tpu.memory_space<hbm>>
      tpu.enqueue_indirect_dma source(%dma_start3A_159 : memref<10240x128xf32, #tpu.memory_space<hbm>>) target(%dma_start3A_154 : memref<64x128xf32, #tpu.memory_space<vmem>>) offsets(%dma_start3A_156 : memref<64xi32, #tpu.memory_space<vmem>>) semaphore(%arg17 : memref<!tpu.dma_semaphore, #tpu.memory_space<semaphore_mem>>)
      %dma_wait3A_160 = arith.constant 0 : i32
      %dma_wait3A_161 = arith.constant 0 : i32
      %dma_wait3A_162 = tpu.memref_slice %arg2[%dma_wait3A_160, %dma_wait3A_161] : memref<10240x128xf32, #tpu.memory_space<hbm>> -> memref<10240x128xf32, #tpu.memory_space<hbm>>
      tpu.wait_indirect_dma semaphore(%arg18 : memref<!tpu.dma_semaphore, #tpu.memory_space<semaphore_mem>>) src(%dma_wait3A_162 : memref<10240x128xf32, #tpu.memory_space<hbm>>) dst(%arg14 : memref<128x128xf32, #tpu.memory_space<vmem>>)
      "tpu.region"() ({
        %run_scoped3A = tpu.sem_alloc : memref<!tpu.dma_semaphore, #tpu.memory_space<semaphore_mem>>
        %dma_start3A_188 = arith.constant 0 : i32
        %dma_start3A_189 = arith.constant 0 : i32
        %dma_start3A_190 = tpu.memref_slice %arg16[%dma_start3A_188, %dma_start3A_189] : memref<10240x128xf32, #tpu.memory_space<vmem_shared>> -> memref<10240x128xf32, #tpu.memory_space<vmem_shared>>
        tpu.enqueue_indirect_dma source(%arg14 : memref<128x128xf32, #tpu.memory_space<vmem>>) target(%dma_start3A_190 : memref<10240x128xf32, #tpu.memory_space<vmem_shared>>) offsets(%arg12 : memref<128xi32, #tpu.memory_space<vmem>>) semaphore(%run_scoped3A : memref<!tpu.dma_semaphore, #tpu.memory_space<semaphore_mem>>) {add = true}
        %dma_wait3A_191 = arith.constant 0 : i32
        %dma_wait3A_192 = arith.constant 0 : i32
        %dma_wait3A_193 = tpu.memref_slice %arg16[%dma_wait3A_191, %dma_wait3A_192] : memref<10240x128xf32, #tpu.memory_space<vmem_shared>> -> memref<10240x128xf32, #tpu.memory_space<vmem_shared>>
        tpu.wait_indirect_dma semaphore(%run_scoped3A : memref<!tpu.dma_semaphore, #tpu.memory_space<semaphore_mem>>) src(%arg14 : memref<128x128xf32, #tpu.memory_space<vmem>>) dst(%dma_wait3A_193 : memref<10240x128xf32, #tpu.memory_space<vmem_shared>>)
        tpu.yield
      }) : () -> ()
      %broadcast_in_dim3A_163 = arith.constant 1.000000e+00 : f32
      %broadcast_in_dim3A_164 = vector.broadcast %broadcast_in_dim3A_163 : f32 to vector<16xf32>
      %get3A_165 = arith.constant 0 : index
      %get3A_166 = tpu.vector_load %arg12[%get3A_165] {strides = array<i32>} : memref<128xi32, #tpu.memory_space<vmem>>, vector<16xi32>,
      tpu.vector_store_idx %arg15[%get3A_166], %broadcast_in_dim3A_164 {add = true} : memref<10240xf32, #tpu.memory_space<vmem>>[vector<16xi32>], vector<16xf32>,
      %get3A_167 = arith.constant 16 : index
      %get3A_168 = tpu.vector_load %arg12[%get3A_167] {strides = array<i32>} : memref<128xi32, #tpu.memory_space<vmem>>, vector<16xi32>,
      tpu.vector_store_idx %arg15[%get3A_168], %broadcast_in_dim3A_164 {add = true} : memref<10240xf32, #tpu.memory_space<vmem>>[vector<16xi32>], vector<16xf32>,
      %get3A_169 = arith.constant 32 : index
      %get3A_170 = tpu.vector_load %arg12[%get3A_169] {strides = array<i32>} : memref<128xi32, #tpu.memory_space<vmem>>, vector<16xi32>,
      tpu.vector_store_idx %arg15[%get3A_170], %broadcast_in_dim3A_164 {add = true} : memref<10240xf32, #tpu.memory_space<vmem>>[vector<16xi32>], vector<16xf32>,
      %get3A_171 = arith.constant 48 : index
      %get3A_172 = tpu.vector_load %arg12[%get3A_171] {strides = array<i32>} : memref<128xi32, #tpu.memory_space<vmem>>, vector<16xi32>,
      tpu.vector_store_idx %arg15[%get3A_172], %broadcast_in_dim3A_164 {add = true} : memref<10240xf32, #tpu.memory_space<vmem>>[vector<16xi32>], vector<16xf32>,
      %get3A_173 = arith.constant 64 : index
      %get3A_174 = tpu.vector_load %arg12[%get3A_173] {strides = array<i32>} : memref<128xi32, #tpu.memory_space<vmem>>, vector<16xi32>,
      tpu.vector_store_idx %arg15[%get3A_174], %broadcast_in_dim3A_164 {add = true} : memref<10240xf32, #tpu.memory_space<vmem>>[vector<16xi32>], vector<16xf32>,
      %get3A_175 = arith.constant 80 : index
      %get3A_176 = tpu.vector_load %arg12[%get3A_175] {strides = array<i32>} : memref<128xi32, #tpu.memory_space<vmem>>, vector<16xi32>,
      tpu.vector_store_idx %arg15[%get3A_176], %broadcast_in_dim3A_164 {add = true} : memref<10240xf32, #tpu.memory_space<vmem>>[vector<16xi32>], vector<16xf32>,
      %get3A_177 = arith.constant 96 : index
      %get3A_178 = tpu.vector_load %arg12[%get3A_177] {strides = array<i32>} : memref<128xi32, #tpu.memory_space<vmem>>, vector<16xi32>,
      tpu.vector_store_idx %arg15[%get3A_178], %broadcast_in_dim3A_164 {add = true} : memref<10240xf32, #tpu.memory_space<vmem>>[vector<16xi32>], vector<16xf32>,
      %get3A_179 = arith.constant 112 : index
      %get3A_180 = tpu.vector_load %arg12[%get3A_179] {strides = array<i32>} : memref<128xi32, #tpu.memory_space<vmem>>, vector<16xi32>,
      tpu.vector_store_idx %arg15[%get3A_180], %broadcast_in_dim3A_164 {add = true} : memref<10240xf32, #tpu.memory_space<vmem>>[vector<16xi32>], vector<16xf32>,
      %add3A_181 = arith.constant 2 : i32
      %add3A_182 = arith.addi %add3A_135, %add3A_181 : i32
      %lt3A_183 = arith.constant 79 : i32
      %lt3A_184 = arith.cmpi slt, %add3A_182, %lt3A_183 : i32
      %convert_element_type3A_185 = arith.extui %lt3A_184 : i1 to i32
      %cond3A_186 = arith.constant 0 : i32
      %cond3A_187 = arith.cmpi ne, %convert_element_type3A_185, %cond3A_186 : i32
      scf.if %cond3A_187 {
        %add3A_188 = arith.constant 2 : i32
        %add3A_189 = arith.addi %add3A_135, %add3A_188 : i32
        %mul3A_190 = arith.constant 128 : i32
        %mul3A_191 = arith.muli %add3A_189, %mul3A_190 : i32
        %add3A_192 = arith.addi %mul3A_14, %mul3A_191 : i32
        %dma_start3A_193 = tpu.memref_slice %arg3[%add3A_192] : memref<323584xi32, #tpu.memory_space<hbm>> -> memref<128xi32, #tpu.memory_space<hbm>>
        %dma_start3A_194 = tpu.memref_slice %arg3[%add3A_192] : memref<323584xi32, #tpu.memory_space<hbm>> -> memref<128xi32, #tpu.memory_space<hbm>>
        tpu.enqueue_dma source(%dma_start3A_194 : memref<128xi32, #tpu.memory_space<hbm>>) target(%arg11 : memref<128xi32, #tpu.memory_space<vmem>>) target_semaphore(%arg20 : memref<!tpu.dma_semaphore, #tpu.memory_space<semaphore_mem>>)
        %dma_start3A_195 = tpu.memref_slice %arg4[%add3A_192] : memref<323584xi32, #tpu.memory_space<hbm>> -> memref<128xi32, #tpu.memory_space<hbm>>
        %dma_start3A_196 = tpu.memref_slice %arg4[%add3A_192] : memref<323584xi32, #tpu.memory_space<hbm>> -> memref<128xi32, #tpu.memory_space<hbm>>
        tpu.enqueue_dma source(%dma_start3A_196 : memref<128xi32, #tpu.memory_space<hbm>>) target(%arg12 : memref<128xi32, #tpu.memory_space<vmem>>) target_semaphore(%arg20 : memref<!tpu.dma_semaphore, #tpu.memory_space<semaphore_mem>>)
      } else {
      }
    }
    %scan3A_42 = arith.constant 39 : i32
    %dma_wait3A = arith.constant 0 : i32
    %dma_wait3A_43 = arith.constant 0 : i32
    %dma_wait3A_44 = tpu.memref_slice %arg2[%dma_wait3A, %dma_wait3A_43] : memref<10240x128xf32, #tpu.memory_space<hbm>> -> memref<10240x128xf32, #tpu.memory_space<hbm>>
    tpu.wait_indirect_dma semaphore(%arg17 : memref<!tpu.dma_semaphore, #tpu.memory_space<semaphore_mem>>) src(%dma_wait3A_44 : memref<10240x128xf32, #tpu.memory_space<hbm>>) dst(%arg13 : memref<128x128xf32, #tpu.memory_space<vmem>>)
    "tpu.region"() ({
      %run_scoped3A = tpu.sem_alloc : memref<!tpu.dma_semaphore, #tpu.memory_space<semaphore_mem>>
      %dma_start3A_82 = arith.constant 0 : i32
      %dma_start3A_83 = arith.constant 0 : i32
      %dma_start3A_84 = tpu.memref_slice %arg16[%dma_start3A_82, %dma_start3A_83] : memref<10240x128xf32, #tpu.memory_space<vmem_shared>> -> memref<10240x128xf32, #tpu.memory_space<vmem_shared>>
      tpu.enqueue_indirect_dma source(%arg13 : memref<128x128xf32, #tpu.memory_space<vmem>>) target(%dma_start3A_84 : memref<10240x128xf32, #tpu.memory_space<vmem_shared>>) offsets(%arg10 : memref<128xi32, #tpu.memory_space<vmem>>) semaphore(%run_scoped3A : memref<!tpu.dma_semaphore, #tpu.memory_space<semaphore_mem>>) {add = true}
      %dma_wait3A_85 = arith.constant 0 : i32
      %dma_wait3A_86 = arith.constant 0 : i32
      %dma_wait3A_87 = tpu.memref_slice %arg16[%dma_wait3A_85, %dma_wait3A_86] : memref<10240x128xf32, #tpu.memory_space<vmem_shared>> -> memref<10240x128xf32, #tpu.memory_space<vmem_shared>>
      tpu.wait_indirect_dma semaphore(%run_scoped3A : memref<!tpu.dma_semaphore, #tpu.memory_space<semaphore_mem>>) src(%arg13 : memref<128x128xf32, #tpu.memory_space<vmem>>) dst(%dma_wait3A_87 : memref<10240x128xf32, #tpu.memory_space<vmem_shared>>)
      tpu.yield
    }) : () -> ()
    %broadcast_in_dim3A = arith.constant 1.000000e+00 : f32
    %broadcast_in_dim3A_45 = vector.broadcast %broadcast_in_dim3A : f32 to vector<16xf32>
    %get3A = arith.constant 0 : index
    %get3A_46 = tpu.vector_load %arg10[%get3A] {strides = array<i32>} : memref<128xi32, #tpu.memory_space<vmem>>, vector<16xi32>,
    tpu.vector_store_idx %arg15[%get3A_46], %broadcast_in_dim3A_45 {add = true} : memref<10240xf32, #tpu.memory_space<vmem>>[vector<16xi32>], vector<16xf32>,
    %get3A_47 = arith.constant 16 : index
    %get3A_48 = tpu.vector_load %arg10[%get3A_47] {strides = array<i32>} : memref<128xi32, #tpu.memory_space<vmem>>, vector<16xi32>,
    tpu.vector_store_idx %arg15[%get3A_48], %broadcast_in_dim3A_45 {add = true} : memref<10240xf32, #tpu.memory_space<vmem>>[vector<16xi32>], vector<16xf32>,
    %get3A_49 = arith.constant 32 : index
    %get3A_50 = tpu.vector_load %arg10[%get3A_49] {strides = array<i32>} : memref<128xi32, #tpu.memory_space<vmem>>, vector<16xi32>,
    tpu.vector_store_idx %arg15[%get3A_50], %broadcast_in_dim3A_45 {add = true} : memref<10240xf32, #tpu.memory_space<vmem>>[vector<16xi32>], vector<16xf32>,
    %get3A_51 = arith.constant 48 : index
    %get3A_52 = tpu.vector_load %arg10[%get3A_51] {strides = array<i32>} : memref<128xi32, #tpu.memory_space<vmem>>, vector<16xi32>,
    tpu.vector_store_idx %arg15[%get3A_52], %broadcast_in_dim3A_45 {add = true} : memref<10240xf32, #tpu.memory_space<vmem>>[vector<16xi32>], vector<16xf32>,
    %get3A_53 = arith.constant 64 : index
    %get3A_54 = tpu.vector_load %arg10[%get3A_53] {strides = array<i32>} : memref<128xi32, #tpu.memory_space<vmem>>, vector<16xi32>,
    tpu.vector_store_idx %arg15[%get3A_54], %broadcast_in_dim3A_45 {add = true} : memref<10240xf32, #tpu.memory_space<vmem>>[vector<16xi32>], vector<16xf32>,
    %get3A_55 = arith.constant 80 : index
    %get3A_56 = tpu.vector_load %arg10[%get3A_55] {strides = array<i32>} : memref<128xi32, #tpu.memory_space<vmem>>, vector<16xi32>,
    tpu.vector_store_idx %arg15[%get3A_56], %broadcast_in_dim3A_45 {add = true} : memref<10240xf32, #tpu.memory_space<vmem>>[vector<16xi32>], vector<16xf32>,
    %get3A_57 = arith.constant 96 : index
    %get3A_58 = tpu.vector_load %arg10[%get3A_57] {strides = array<i32>} : memref<128xi32, #tpu.memory_space<vmem>>, vector<16xi32>,
    tpu.vector_store_idx %arg15[%get3A_58], %broadcast_in_dim3A_45 {add = true} : memref<10240xf32, #tpu.memory_space<vmem>>[vector<16xi32>], vector<16xf32>,
    %get3A_59 = arith.constant 112 : index
    %get3A_60 = tpu.vector_load %arg10[%get3A_59] {strides = array<i32>} : memref<128xi32, #tpu.memory_space<vmem>>, vector<16xi32>,
    tpu.vector_store_idx %arg15[%get3A_60], %broadcast_in_dim3A_45 {add = true} : memref<10240xf32, #tpu.memory_space<vmem>>[vector<16xi32>], vector<16xf32>,
    %barrier3A_61 = arith.constant 0 : index
    tpu.barrier barrier_id(%barrier3A_61)
    %add3A_62 = arith.constant 0 : i32
    %add3A_63 = arith.addi %mul3A_0, %add3A_62 : i32
    "tpu.region"() ({
      %run_scoped3A = tpu.sem_alloc : memref<!tpu.dma_semaphore, #tpu.memory_space<semaphore_mem>>
      %dma_start3A_82 = arith.constant 0 : i32
      %dma_start3A_83 = tpu.memref_slice %arg16[%add3A_63, %dma_start3A_82] : memref<10240x128xf32, #tpu.memory_space<vmem_shared>> -> memref<128x128xf32, #tpu.memory_space<vmem_shared>>
      %dma_start3A_84 = arith.constant 0 : i32
      %dma_start3A_85 = tpu.memref_slice %arg16[%add3A_63, %dma_start3A_84] : memref<10240x128xf32, #tpu.memory_space<vmem_shared>> -> memref<128x128xf32, #tpu.memory_space<vmem_shared>>
      tpu.enqueue_dma source(%dma_start3A_85 : memref<128x128xf32, #tpu.memory_space<vmem_shared>>) target(%arg13 : memref<128x128xf32, #tpu.memory_space<vmem>>) target_semaphore(%run_scoped3A : memref<!tpu.dma_semaphore, #tpu.memory_space<semaphore_mem>>)
      %dma_wait3A_86 = arith.constant 0 : i32
      %dma_wait3A_87 = tpu.memref_slice %arg16[%add3A_63, %dma_wait3A_86] : memref<10240x128xf32, #tpu.memory_space<vmem_shared>> -> memref<128x128xf32, #tpu.memory_space<vmem_shared>>
      %dma_wait3A_88 = arith.constant 0 : i32
      %dma_wait3A_89 = tpu.memref_slice %arg16[%add3A_63, %dma_wait3A_88] : memref<10240x128xf32, #tpu.memory_space<vmem_shared>> -> memref<128x128xf32, #tpu.memory_space<vmem_shared>>
      tpu.wait_dma2 semaphore(%run_scoped3A : memref<!tpu.dma_semaphore, #tpu.memory_space<semaphore_mem>>) src(%dma_wait3A_89 : memref<128x128xf32, #tpu.memory_space<vmem_shared>>) dst(%arg13 : memref<128x128xf32, #tpu.memory_space<vmem>>)
      tpu.yield
    }) : () -> ()
    %add3A_64 = arith.constant 0 : i32
    %add3A_65 = arith.addi %mul3A_0, %add3A_64 : i32
    "tpu.region"() ({
      %run_scoped3A = tpu.sem_alloc : memref<!tpu.dma_semaphore, #tpu.memory_space<semaphore_mem>>
      %dma_start3A_82 = arith.constant 0 : i32
      %dma_start3A_83 = tpu.memref_slice %arg7[%arg0, %add3A_65, %dma_start3A_82] : memref<2x10240x128xf32, #tpu.memory_space<hbm>> -> memref<1x128x128xf32, #tpu.memory_space<hbm>>
      %dma_start3A_84 = tpu.memref_squeeze %dma_start3A_83 : memref<1x128x128xf32, #tpu.memory_space<hbm>> -> memref<128x128xf32, #tpu.memory_space<hbm>>
      %dma_start3A_85 = arith.constant 0 : i32
      %dma_start3A_86 = tpu.memref_slice %arg7[%arg0, %add3A_65, %dma_start3A_85] : memref<2x10240x128xf32, #tpu.memory_space<hbm>> -> memref<1x128x128xf32, #tpu.memory_space<hbm>>
      %dma_start3A_87 = tpu.memref_squeeze %dma_start3A_86 : memref<1x128x128xf32, #tpu.memory_space<hbm>> -> memref<128x128xf32, #tpu.memory_space<hbm>>
      tpu.enqueue_dma source(%arg13 : memref<128x128xf32, #tpu.memory_space<vmem>>) target(%dma_start3A_87 : memref<128x128xf32, #tpu.memory_space<hbm>>) target_semaphore(%run_scoped3A : memref<!tpu.dma_semaphore, #tpu.memory_space<semaphore_mem>>)
      %dma_wait3A_88 = arith.constant 0 : i32
      %dma_wait3A_89 = tpu.memref_slice %arg7[%arg0, %add3A_65, %dma_wait3A_88] : memref<2x10240x128xf32, #tpu.memory_space<hbm>> -> memref<1x128x128xf32, #tpu.memory_space<hbm>>
      %dma_wait3A_90 = tpu.memref_squeeze %dma_wait3A_89 : memref<1x128x128xf32, #tpu.memory_space<hbm>> -> memref<128x128xf32, #tpu.memory_space<hbm>>
      %dma_wait3A_91 = arith.constant 0 : i32
      %dma_wait3A_92 = tpu.memref_slice %arg7[%arg0, %add3A_65, %dma_wait3A_91] : memref<2x10240x128xf32, #tpu.memory_space<hbm>> -> memref<1x128x128xf32, #tpu.memory_space<hbm>>
      %dma_wait3A_93 = tpu.memref_squeeze %dma_wait3A_92 : memref<1x128x128xf32, #tpu.memory_space<hbm>> -> memref<128x128xf32, #tpu.memory_space<hbm>>
      tpu.wait_dma2 semaphore(%run_scoped3A : memref<!tpu.dma_semaphore, #tpu.memory_space<semaphore_mem>>) src(%arg13 : memref<128x128xf32, #tpu.memory_space<vmem>>) dst(%dma_wait3A_93 : memref<128x128xf32, #tpu.memory_space<hbm>>)
      tpu.yield
    }) : () -> ()
    %add3A_66 = arith.constant 128 : i32
    %add3A_67 = arith.addi %mul3A_0, %add3A_66 : i32
    "tpu.region"() ({
      %run_scoped3A = tpu.sem_alloc : memref<!tpu.dma_semaphore, #tpu.memory_space<semaphore_mem>>
      %dma_start3A_82 = arith.constant 0 : i32
      %dma_start3A_83 = tpu.memref_slice %arg16[%add3A_67, %dma_start3A_82] : memref<10240x128xf32, #tpu.memory_space<vmem_shared>> -> memref<128x128xf32, #tpu.memory_space<vmem_shared>>
      %dma_start3A_84 = arith.constant 0 : i32
      %dma_start3A_85 = tpu.memref_slice %arg16[%add3A_67, %dma_start3A_84] : memref<10240x128xf32, #tpu.memory_space<vmem_shared>> -> memref<128x128xf32, #tpu.memory_space<vmem_shared>>
      tpu.enqueue_dma source(%dma_start3A_85 : memref<128x128xf32, #tpu.memory_space<vmem_shared>>) target(%arg13 : memref<128x128xf32, #tpu.memory_space<vmem>>) target_semaphore(%run_scoped3A : memref<!tpu.dma_semaphore, #tpu.memory_space<semaphore_mem>>)
      %dma_wait3A_86 = arith.constant 0 : i32
      %dma_wait3A_87 = tpu.memref_slice %arg16[%add3A_67, %dma_wait3A_86] : memref<10240x128xf32, #tpu.memory_space<vmem_shared>> -> memref<128x128xf32, #tpu.memory_space<vmem_shared>>
      %dma_wait3A_88 = arith.constant 0 : i32
      %dma_wait3A_89 = tpu.memref_slice %arg16[%add3A_67, %dma_wait3A_88] : memref<10240x128xf32, #tpu.memory_space<vmem_shared>> -> memref<128x128xf32, #tpu.memory_space<vmem_shared>>
      tpu.wait_dma2 semaphore(%run_scoped3A : memref<!tpu.dma_semaphore, #tpu.memory_space<semaphore_mem>>) src(%dma_wait3A_89 : memref<128x128xf32, #tpu.memory_space<vmem_shared>>) dst(%arg13 : memref<128x128xf32, #tpu.memory_space<vmem>>)
      tpu.yield
    }) : () -> ()
    %add3A_68 = arith.constant 128 : i32
    %add3A_69 = arith.addi %mul3A_0, %add3A_68 : i32
    "tpu.region"() ({
      %run_scoped3A = tpu.sem_alloc : memref<!tpu.dma_semaphore, #tpu.memory_space<semaphore_mem>>
      %dma_start3A_82 = arith.constant 0 : i32
      %dma_start3A_83 = tpu.memref_slice %arg7[%arg0, %add3A_69, %dma_start3A_82] : memref<2x10240x128xf32, #tpu.memory_space<hbm>> -> memref<1x128x128xf32, #tpu.memory_space<hbm>>
      %dma_start3A_84 = tpu.memref_squeeze %dma_start3A_83 : memref<1x128x128xf32, #tpu.memory_space<hbm>> -> memref<128x128xf32, #tpu.memory_space<hbm>>
      %dma_start3A_85 = arith.constant 0 : i32
      %dma_start3A_86 = tpu.memref_slice %arg7[%arg0, %add3A_69, %dma_start3A_85] : memref<2x10240x128xf32, #tpu.memory_space<hbm>> -> memref<1x128x128xf32, #tpu.memory_space<hbm>>
      %dma_start3A_87 = tpu.memref_squeeze %dma_start3A_86 : memref<1x128x128xf32, #tpu.memory_space<hbm>> -> memref<128x128xf32, #tpu.memory_space<hbm>>
      tpu.enqueue_dma source(%arg13 : memref<128x128xf32, #tpu.memory_space<vmem>>) target(%dma_start3A_87 : memref<128x128xf32, #tpu.memory_space<hbm>>) target_semaphore(%run_scoped3A : memref<!tpu.dma_semaphore, #tpu.memory_space<semaphore_mem>>)
      %dma_wait3A_88 = arith.constant 0 : i32
      %dma_wait3A_89 = tpu.memref_slice %arg7[%arg0, %add3A_69, %dma_wait3A_88] : memref<2x10240x128xf32, #tpu.memory_space<hbm>> -> memref<1x128x128xf32, #tpu.memory_space<hbm>>
      %dma_wait3A_90 = tpu.memref_squeeze %dma_wait3A_89 : memref<1x128x128xf32, #tpu.memory_space<hbm>> -> memref<128x128xf32, #tpu.memory_space<hbm>>
      %dma_wait3A_91 = arith.constant 0 : i32
      %dma_wait3A_92 = tpu.memref_slice %arg7[%arg0, %add3A_69, %dma_wait3A_91] : memref<2x10240x128xf32, #tpu.memory_space<hbm>> -> memref<1x128x128xf32, #tpu.memory_space<hbm>>
      %dma_wait3A_93 = tpu.memref_squeeze %dma_wait3A_92 : memref<1x128x128xf32, #tpu.memory_space<hbm>> -> memref<128x128xf32, #tpu.memory_space<hbm>>
      tpu.wait_dma2 semaphore(%run_scoped3A : memref<!tpu.dma_semaphore, #tpu.memory_space<semaphore_mem>>) src(%arg13 : memref<128x128xf32, #tpu.memory_space<vmem>>) dst(%dma_wait3A_93 : memref<128x128xf32, #tpu.memory_space<hbm>>)
      tpu.yield
    }) : () -> ()
    %add3A_70 = arith.constant 256 : i32
    %add3A_71 = arith.addi %mul3A_0, %add3A_70 : i32
    "tpu.region"() ({
      %run_scoped3A = tpu.sem_alloc : memref<!tpu.dma_semaphore, #tpu.memory_space<semaphore_mem>>
      %dma_start3A_82 = arith.constant 0 : i32
      %dma_start3A_83 = tpu.memref_slice %arg16[%add3A_71, %dma_start3A_82] : memref<10240x128xf32, #tpu.memory_space<vmem_shared>> -> memref<128x128xf32, #tpu.memory_space<vmem_shared>>
      %dma_start3A_84 = arith.constant 0 : i32
      %dma_start3A_85 = tpu.memref_slice %arg16[%add3A_71, %dma_start3A_84] : memref<10240x128xf32, #tpu.memory_space<vmem_shared>> -> memref<128x128xf32, #tpu.memory_space<vmem_shared>>
      tpu.enqueue_dma source(%dma_start3A_85 : memref<128x128xf32, #tpu.memory_space<vmem_shared>>) target(%arg13 : memref<128x128xf32, #tpu.memory_space<vmem>>) target_semaphore(%run_scoped3A : memref<!tpu.dma_semaphore, #tpu.memory_space<semaphore_mem>>)
      %dma_wait3A_86 = arith.constant 0 : i32
      %dma_wait3A_87 = tpu.memref_slice %arg16[%add3A_71, %dma_wait3A_86] : memref<10240x128xf32, #tpu.memory_space<vmem_shared>> -> memref<128x128xf32, #tpu.memory_space<vmem_shared>>
      %dma_wait3A_88 = arith.constant 0 : i32
      %dma_wait3A_89 = tpu.memref_slice %arg16[%add3A_71, %dma_wait3A_88] : memref<10240x128xf32, #tpu.memory_space<vmem_shared>> -> memref<128x128xf32, #tpu.memory_space<vmem_shared>>
      tpu.wait_dma2 semaphore(%run_scoped3A : memref<!tpu.dma_semaphore, #tpu.memory_space<semaphore_mem>>) src(%dma_wait3A_89 : memref<128x128xf32, #tpu.memory_space<vmem_shared>>) dst(%arg13 : memref<128x128xf32, #tpu.memory_space<vmem>>)
      tpu.yield
    }) : () -> ()
    %add3A_72 = arith.constant 256 : i32
    %add3A_73 = arith.addi %mul3A_0, %add3A_72 : i32
    "tpu.region"() ({
      %run_scoped3A = tpu.sem_alloc : memref<!tpu.dma_semaphore, #tpu.memory_space<semaphore_mem>>
      %dma_start3A_82 = arith.constant 0 : i32
      %dma_start3A_83 = tpu.memref_slice %arg7[%arg0, %add3A_73, %dma_start3A_82] : memref<2x10240x128xf32, #tpu.memory_space<hbm>> -> memref<1x128x128xf32, #tpu.memory_space<hbm>>
      %dma_start3A_84 = tpu.memref_squeeze %dma_start3A_83 : memref<1x128x128xf32, #tpu.memory_space<hbm>> -> memref<128x128xf32, #tpu.memory_space<hbm>>
      %dma_start3A_85 = arith.constant 0 : i32
      %dma_start3A_86 = tpu.memref_slice %arg7[%arg0, %add3A_73, %dma_start3A_85] : memref<2x10240x128xf32, #tpu.memory_space<hbm>> -> memref<1x128x128xf32, #tpu.memory_space<hbm>>
      %dma_start3A_87 = tpu.memref_squeeze %dma_start3A_86 : memref<1x128x128xf32, #tpu.memory_space<hbm>> -> memref<128x128xf32, #tpu.memory_space<hbm>>
      tpu.enqueue_dma source(%arg13 : memref<128x128xf32, #tpu.memory_space<vmem>>) target(%dma_start3A_87 : memref<128x128xf32, #tpu.memory_space<hbm>>) target_semaphore(%run_scoped3A : memref<!tpu.dma_semaphore, #tpu.memory_space<semaphore_mem>>)
      %dma_wait3A_88 = arith.constant 0 : i32
      %dma_wait3A_89 = tpu.memref_slice %arg7[%arg0, %add3A_73, %dma_wait3A_88] : memref<2x10240x128xf32, #tpu.memory_space<hbm>> -> memref<1x128x128xf32, #tpu.memory_space<hbm>>
      %dma_wait3A_90 = tpu.memref_squeeze %dma_wait3A_89 : memref<1x128x128xf32, #tpu.memory_space<hbm>> -> memref<128x128xf32, #tpu.memory_space<hbm>>
      %dma_wait3A_91 = arith.constant 0 : i32
      %dma_wait3A_92 = tpu.memref_slice %arg7[%arg0, %add3A_73, %dma_wait3A_91] : memref<2x10240x128xf32, #tpu.memory_space<hbm>> -> memref<1x128x128xf32, #tpu.memory_space<hbm>>
      %dma_wait3A_93 = tpu.memref_squeeze %dma_wait3A_92 : memref<1x128x128xf32, #tpu.memory_space<hbm>> -> memref<128x128xf32, #tpu.memory_space<hbm>>
      tpu.wait_dma2 semaphore(%run_scoped3A : memref<!tpu.dma_semaphore, #tpu.memory_space<semaphore_mem>>) src(%arg13 : memref<128x128xf32, #tpu.memory_space<vmem>>) dst(%dma_wait3A_93 : memref<128x128xf32, #tpu.memory_space<hbm>>)
      tpu.yield
    }) : () -> ()
    %add3A_74 = arith.constant 384 : i32
    %add3A_75 = arith.addi %mul3A_0, %add3A_74 : i32
    "tpu.region"() ({
      %run_scoped3A = tpu.sem_alloc : memref<!tpu.dma_semaphore, #tpu.memory_space<semaphore_mem>>
      %dma_start3A_82 = arith.constant 0 : i32
      %dma_start3A_83 = tpu.memref_slice %arg16[%add3A_75, %dma_start3A_82] : memref<10240x128xf32, #tpu.memory_space<vmem_shared>> -> memref<128x128xf32, #tpu.memory_space<vmem_shared>>
      %dma_start3A_84 = arith.constant 0 : i32
      %dma_start3A_85 = tpu.memref_slice %arg16[%add3A_75, %dma_start3A_84] : memref<10240x128xf32, #tpu.memory_space<vmem_shared>> -> memref<128x128xf32, #tpu.memory_space<vmem_shared>>
      tpu.enqueue_dma source(%dma_start3A_85 : memref<128x128xf32, #tpu.memory_space<vmem_shared>>) target(%arg13 : memref<128x128xf32, #tpu.memory_space<vmem>>) target_semaphore(%run_scoped3A : memref<!tpu.dma_semaphore, #tpu.memory_space<semaphore_mem>>)
      %dma_wait3A_86 = arith.constant 0 : i32
      %dma_wait3A_87 = tpu.memref_slice %arg16[%add3A_75, %dma_wait3A_86] : memref<10240x128xf32, #tpu.memory_space<vmem_shared>> -> memref<128x128xf32, #tpu.memory_space<vmem_shared>>
      %dma_wait3A_88 = arith.constant 0 : i32
      %dma_wait3A_89 = tpu.memref_slice %arg16[%add3A_75, %dma_wait3A_88] : memref<10240x128xf32, #tpu.memory_space<vmem_shared>> -> memref<128x128xf32, #tpu.memory_space<vmem_shared>>
      tpu.wait_dma2 semaphore(%run_scoped3A : memref<!tpu.dma_semaphore, #tpu.memory_space<semaphore_mem>>) src(%dma_wait3A_89 : memref<128x128xf32, #tpu.memory_space<vmem_shared>>) dst(%arg13 : memref<128x128xf32, #tpu.memory_space<vmem>>)
      tpu.yield
    }) : () -> ()
    %add3A_76 = arith.constant 384 : i32
    %add3A_77 = arith.addi %mul3A_0, %add3A_76 : i32
    "tpu.region"() ({
      %run_scoped3A = tpu.sem_alloc : memref<!tpu.dma_semaphore, #tpu.memory_space<semaphore_mem>>
      %dma_start3A_82 = arith.constant 0 : i32
      %dma_start3A_83 = tpu.memref_slice %arg7[%arg0, %add3A_77, %dma_start3A_82] : memref<2x10240x128xf32, #tpu.memory_space<hbm>> -> memref<1x128x128xf32, #tpu.memory_space<hbm>>
      %dma_start3A_84 = tpu.memref_squeeze %dma_start3A_83 : memref<1x128x128xf32, #tpu.memory_space<hbm>> -> memref<128x128xf32, #tpu.memory_space<hbm>>
      %dma_start3A_85 = arith.constant 0 : i32
      %dma_start3A_86 = tpu.memref_slice %arg7[%arg0, %add3A_77, %dma_start3A_85] : memref<2x10240x128xf32, #tpu.memory_space<hbm>> -> memref<1x128x128xf32, #tpu.memory_space<hbm>>
      %dma_start3A_87 = tpu.memref_squeeze %dma_start3A_86 : memref<1x128x128xf32, #tpu.memory_space<hbm>> -> memref<128x128xf32, #tpu.memory_space<hbm>>
      tpu.enqueue_dma source(%arg13 : memref<128x128xf32, #tpu.memory_space<vmem>>) target(%dma_start3A_87 : memref<128x128xf32, #tpu.memory_space<hbm>>) target_semaphore(%run_scoped3A : memref<!tpu.dma_semaphore, #tpu.memory_space<semaphore_mem>>)
      %dma_wait3A_88 = arith.constant 0 : i32
      %dma_wait3A_89 = tpu.memref_slice %arg7[%arg0, %add3A_77, %dma_wait3A_88] : memref<2x10240x128xf32, #tpu.memory_space<hbm>> -> memref<1x128x128xf32, #tpu.memory_space<hbm>>
      %dma_wait3A_90 = tpu.memref_squeeze %dma_wait3A_89 : memref<1x128x128xf32, #tpu.memory_space<hbm>> -> memref<128x128xf32, #tpu.memory_space<hbm>>
      %dma_wait3A_91 = arith.constant 0 : i32
      %dma_wait3A_92 = tpu.memref_slice %arg7[%arg0, %add3A_77, %dma_wait3A_91] : memref<2x10240x128xf32, #tpu.memory_space<hbm>> -> memref<1x128x128xf32, #tpu.memory_space<hbm>>
      %dma_wait3A_93 = tpu.memref_squeeze %dma_wait3A_92 : memref<1x128x128xf32, #tpu.memory_space<hbm>> -> memref<128x128xf32, #tpu.memory_space<hbm>>
      tpu.wait_dma2 semaphore(%run_scoped3A : memref<!tpu.dma_semaphore, #tpu.memory_space<semaphore_mem>>) src(%arg13 : memref<128x128xf32, #tpu.memory_space<vmem>>) dst(%dma_wait3A_93 : memref<128x128xf32, #tpu.memory_space<hbm>>)
      tpu.yield
    }) : () -> ()
    %add3A_78 = arith.constant 512 : i32
    %add3A_79 = arith.addi %mul3A_0, %add3A_78 : i32
    "tpu.region"() ({
      %run_scoped3A = tpu.sem_alloc : memref<!tpu.dma_semaphore, #tpu.memory_space<semaphore_mem>>
      %dma_start3A_82 = arith.constant 0 : i32
      %dma_start3A_83 = tpu.memref_slice %arg16[%add3A_79, %dma_start3A_82] : memref<10240x128xf32, #tpu.memory_space<vmem_shared>> -> memref<128x128xf32, #tpu.memory_space<vmem_shared>>
      %dma_start3A_84 = arith.constant 0 : i32
      %dma_start3A_85 = tpu.memref_slice %arg16[%add3A_79, %dma_start3A_84] : memref<10240x128xf32, #tpu.memory_space<vmem_shared>> -> memref<128x128xf32, #tpu.memory_space<vmem_shared>>
      tpu.enqueue_dma source(%dma_start3A_85 : memref<128x128xf32, #tpu.memory_space<vmem_shared>>) target(%arg13 : memref<128x128xf32, #tpu.memory_space<vmem>>) target_semaphore(%run_scoped3A : memref<!tpu.dma_semaphore, #tpu.memory_space<semaphore_mem>>)
      %dma_wait3A_86 = arith.constant 0 : i32
      %dma_wait3A_87 = tpu.memref_slice %arg16[%add3A_79, %dma_wait3A_86] : memref<10240x128xf32, #tpu.memory_space<vmem_shared>> -> memref<128x128xf32, #tpu.memory_space<vmem_shared>>
      %dma_wait3A_88 = arith.constant 0 : i32
      %dma_wait3A_89 = tpu.memref_slice %arg16[%add3A_79, %dma_wait3A_88] : memref<10240x128xf32, #tpu.memory_space<vmem_shared>> -> memref<128x128xf32, #tpu.memory_space<vmem_shared>>
      tpu.wait_dma2 semaphore(%run_scoped3A : memref<!tpu.dma_semaphore, #tpu.memory_space<semaphore_mem>>) src(%dma_wait3A_89 : memref<128x128xf32, #tpu.memory_space<vmem_shared>>) dst(%arg13 : memref<128x128xf32, #tpu.memory_space<vmem>>)
      tpu.yield
    }) : () -> ()
    %add3A_80 = arith.constant 512 : i32
    %add3A_81 = arith.addi %mul3A_0, %add3A_80 : i32
    "tpu.region"() ({
      %run_scoped3A = tpu.sem_alloc : memref<!tpu.dma_semaphore, #tpu.memory_space<semaphore_mem>>
      %dma_start3A_82 = arith.constant 0 : i32
      %dma_start3A_83 = tpu.memref_slice %arg7[%arg0, %add3A_81, %dma_start3A_82] : memref<2x10240x128xf32, #tpu.memory_space<hbm>> -> memref<1x128x128xf32, #tpu.memory_space<hbm>>
      %dma_start3A_84 = tpu.memref_squeeze %dma_start3A_83 : memref<1x128x128xf32, #tpu.memory_space<hbm>> -> memref<128x128xf32, #tpu.memory_space<hbm>>
      %dma_start3A_85 = arith.constant 0 : i32
      %dma_start3A_86 = tpu.memref_slice %arg7[%arg0, %add3A_81, %dma_start3A_85] : memref<2x10240x128xf32, #tpu.memory_space<hbm>> -> memref<1x128x128xf32, #tpu.memory_space<hbm>>
      %dma_start3A_87 = tpu.memref_squeeze %dma_start3A_86 : memref<1x128x128xf32, #tpu.memory_space<hbm>> -> memref<128x128xf32, #tpu.memory_space<hbm>>
      tpu.enqueue_dma source(%arg13 : memref<128x128xf32, #tpu.memory_space<vmem>>) target(%dma_start3A_87 : memref<128x128xf32, #tpu.memory_space<hbm>>) target_semaphore(%run_scoped3A : memref<!tpu.dma_semaphore, #tpu.memory_space<semaphore_mem>>)
      %dma_wait3A_88 = arith.constant 0 : i32
      %dma_wait3A_89 = tpu.memref_slice %arg7[%arg0, %add3A_81, %dma_wait3A_88] : memref<2x10240x128xf32, #tpu.memory_space<hbm>> -> memref<1x128x128xf32, #tpu.memory_space<hbm>>
      %dma_wait3A_90 = tpu.memref_squeeze %dma_wait3A_89 : memref<1x128x128xf32, #tpu.memory_space<hbm>> -> memref<128x128xf32, #tpu.memory_space<hbm>>
      %dma_wait3A_91 = arith.constant 0 : i32
      %dma_wait3A_92 = tpu.memref_slice %arg7[%arg0, %add3A_81, %dma_wait3A_91] : memref<2x10240x128xf32, #tpu.memory_space<hbm>> -> memref<1x128x128xf32, #tpu.memory_space<hbm>>
      %dma_wait3A_93 = tpu.memref_squeeze %dma_wait3A_92 : memref<1x128x128xf32, #tpu.memory_space<hbm>> -> memref<128x128xf32, #tpu.memory_space<hbm>>
      tpu.wait_dma2 semaphore(%run_scoped3A : memref<!tpu.dma_semaphore, #tpu.memory_space<semaphore_mem>>) src(%arg13 : memref<128x128xf32, #tpu.memory_space<vmem>>) dst(%dma_wait3A_93 : memref<128x128xf32, #tpu.memory_space<hbm>>)
      tpu.yield
    }) : () -> ()
    "tpu.region"() ({
      %run_scoped3A = tpu.sem_alloc : memref<!tpu.dma_semaphore, #tpu.memory_space<semaphore_mem>>
      %dma_start3A_82 = arith.constant 0 : i32
      %dma_start3A_83 = tpu.memref_slice %arg8[%arg0, %arg1, %dma_start3A_82] : memref<2x16x10240xf32, #tpu.memory_space<hbm>> -> memref<1x1x10240xf32, #tpu.memory_space<hbm>>
      %dma_start3A_84 = tpu.memref_squeeze %dma_start3A_83 : memref<1x1x10240xf32, #tpu.memory_space<hbm>> -> memref<10240xf32, #tpu.memory_space<hbm>>
      %dma_start3A_85 = arith.constant 0 : i32
      %dma_start3A_86 = tpu.memref_slice %arg8[%arg0, %arg1, %dma_start3A_85] : memref<2x16x10240xf32, #tpu.memory_space<hbm>> -> memref<1x1x10240xf32, #tpu.memory_space<hbm>>
      %dma_start3A_87 = tpu.memref_squeeze %dma_start3A_86 : memref<1x1x10240xf32, #tpu.memory_space<hbm>> -> memref<10240xf32, #tpu.memory_space<hbm>>
      tpu.enqueue_dma source(%arg15 : memref<10240xf32, #tpu.memory_space<vmem>>) target(%dma_start3A_87 : memref<10240xf32, #tpu.memory_space<hbm>>) target_semaphore(%run_scoped3A : memref<!tpu.dma_semaphore, #tpu.memory_space<semaphore_mem>>)
      %dma_wait3A_88 = arith.constant 0 : i32
      %dma_wait3A_89 = tpu.memref_slice %arg8[%arg0, %arg1, %dma_wait3A_88] : memref<2x16x10240xf32, #tpu.memory_space<hbm>> -> memref<1x1x10240xf32, #tpu.memory_space<hbm>>
      %dma_wait3A_90 = tpu.memref_squeeze %dma_wait3A_89 : memref<1x1x10240xf32, #tpu.memory_space<hbm>> -> memref<10240xf32, #tpu.memory_space<hbm>>
      %dma_wait3A_91 = arith.constant 0 : i32
      %dma_wait3A_92 = tpu.memref_slice %arg8[%arg0, %arg1, %dma_wait3A_91] : memref<2x16x10240xf32, #tpu.memory_space<hbm>> -> memref<1x1x10240xf32, #tpu.memory_space<hbm>>
      %dma_wait3A_93 = tpu.memref_squeeze %dma_wait3A_92 : memref<1x1x10240xf32, #tpu.memory_space<hbm>> -> memref<10240xf32, #tpu.memory_space<hbm>>
      tpu.wait_dma2 semaphore(%run_scoped3A : memref<!tpu.dma_semaphore, #tpu.memory_space<semaphore_mem>>) src(%arg15 : memref<10240xf32, #tpu.memory_space<vmem>>) dst(%dma_wait3A_93 : memref<10240xf32, #tpu.memory_space<hbm>>)
      tpu.yield
    }) : () -> ()
    return
  }
}

#map = affine_map<(d0, d1) -> (0, 0)>
#map1 = affine_map<(d0, d1) -> (0)>
#map2 = affine_map<(d0, d1) -> (0, 0, 0)>
module attributes {stable_mosaic.version = 14 : i64} {
  func.func @_sc_layer2(%arg0: i32, %arg1: i32, %arg2: memref<10240x128xf32, #tpu.memory_space<hbm>>, %arg3: memref<323584xi32, #tpu.memory_space<hbm>>, %arg4: memref<323584xi32, #tpu.memory_space<hbm>>, %arg5: memref<128x128xf32, #tpu.memory_space<hbm>>, %arg6: memref<2x10240x128xf32, #tpu.memory_space<hbm>>, %arg7: memref<128xi32, #tpu.memory_space<vmem>>, %arg8: memref<128xi32, #tpu.memory_space<vmem>>, %arg9: memref<128xi32, #tpu.memory_space<vmem>>, %arg10: memref<128xi32, #tpu.memory_space<vmem>>, %arg11: memref<128x128xf32, #tpu.memory_space<vmem>>, %arg12: memref<128x128xf32, #tpu.memory_space<vmem>>, %arg13: memref<10240x128xf32, #tpu.memory_space<vmem_shared>>, %arg14: memref<!tpu.dma_semaphore, #tpu.memory_space<semaphore_mem>>, %arg15: memref<!tpu.dma_semaphore, #tpu.memory_space<semaphore_mem>>, %arg16: memref<!tpu.dma_semaphore, #tpu.memory_space<semaphore_mem>>, %arg17: memref<!tpu.dma_semaphore, #tpu.memory_space<semaphore_mem>>) attributes {dimension_semantics = [#tpu.dimension_semantics<core_parallel>, #tpu.dimension_semantics<subcore_parallel>], iteration_bounds = array<i64: 2, 16>, scalar_prefetch = 0 : i64, scratch_operands = 11 : i64, tpu.core_type = #tpu.core_type<sc_vector_subcore>, window_params = [{transform_indices = #map}, {transform_indices = #map1}, {transform_indices = #map1}, {transform_indices = #map}, {transform_indices = #map2}]} {
    %mul3A = arith.constant 640 : i32
    %mul3A_0 = arith.muli %arg1, %mul3A : i32
    "tpu.region"() ({
      %run_scoped3A = tpu.sem_alloc : memref<!tpu.dma_semaphore, #tpu.memory_space<semaphore_mem>>
      tpu.enqueue_dma source(%arg5 : memref<128x128xf32, #tpu.memory_space<hbm>>) target(%arg11 : memref<128x128xf32, #tpu.memory_space<vmem>>) target_semaphore(%run_scoped3A : memref<!tpu.dma_semaphore, #tpu.memory_space<semaphore_mem>>)
      tpu.wait_dma2 semaphore(%run_scoped3A : memref<!tpu.dma_semaphore, #tpu.memory_space<semaphore_mem>>) src(%arg5 : memref<128x128xf32, #tpu.memory_space<hbm>>) dst(%arg11 : memref<128x128xf32, #tpu.memory_space<vmem>>)
      tpu.yield
    }) : () -> ()
    %add3A = arith.constant 0 : i32
    %add3A_1 = arith.addi %mul3A_0, %add3A : i32
    "tpu.region"() ({
      %run_scoped3A = tpu.sem_alloc : memref<!tpu.dma_semaphore, #tpu.memory_space<semaphore_mem>>
      %dma_start3A_66 = arith.constant 0 : i32
      %dma_start3A_67 = tpu.memref_slice %arg13[%add3A_1, %dma_start3A_66] : memref<10240x128xf32, #tpu.memory_space<vmem_shared>> -> memref<128x128xf32, #tpu.memory_space<vmem_shared>>
      %dma_start3A_68 = arith.constant 0 : i32
      %dma_start3A_69 = tpu.memref_slice %arg13[%add3A_1, %dma_start3A_68] : memref<10240x128xf32, #tpu.memory_space<vmem_shared>> -> memref<128x128xf32, #tpu.memory_space<vmem_shared>>
      tpu.enqueue_dma source(%arg11 : memref<128x128xf32, #tpu.memory_space<vmem>>) target(%dma_start3A_69 : memref<128x128xf32, #tpu.memory_space<vmem_shared>>) target_semaphore(%run_scoped3A : memref<!tpu.dma_semaphore, #tpu.memory_space<semaphore_mem>>)
      %dma_wait3A_70 = arith.constant 0 : i32
      %dma_wait3A_71 = tpu.memref_slice %arg13[%add3A_1, %dma_wait3A_70] : memref<10240x128xf32, #tpu.memory_space<vmem_shared>> -> memref<128x128xf32, #tpu.memory_space<vmem_shared>>
      %dma_wait3A_72 = arith.constant 0 : i32
      %dma_wait3A_73 = tpu.memref_slice %arg13[%add3A_1, %dma_wait3A_72] : memref<10240x128xf32, #tpu.memory_space<vmem_shared>> -> memref<128x128xf32, #tpu.memory_space<vmem_shared>>
      tpu.wait_dma2 semaphore(%run_scoped3A : memref<!tpu.dma_semaphore, #tpu.memory_space<semaphore_mem>>) src(%arg11 : memref<128x128xf32, #tpu.memory_space<vmem>>) dst(%dma_wait3A_73 : memref<128x128xf32, #tpu.memory_space<vmem_shared>>)
      tpu.yield
    }) : () -> ()
    %add3A_2 = arith.constant 128 : i32
    %add3A_3 = arith.addi %mul3A_0, %add3A_2 : i32
    "tpu.region"() ({
      %run_scoped3A = tpu.sem_alloc : memref<!tpu.dma_semaphore, #tpu.memory_space<semaphore_mem>>
      %dma_start3A_66 = arith.constant 0 : i32
      %dma_start3A_67 = tpu.memref_slice %arg13[%add3A_3, %dma_start3A_66] : memref<10240x128xf32, #tpu.memory_space<vmem_shared>> -> memref<128x128xf32, #tpu.memory_space<vmem_shared>>
      %dma_start3A_68 = arith.constant 0 : i32
      %dma_start3A_69 = tpu.memref_slice %arg13[%add3A_3, %dma_start3A_68] : memref<10240x128xf32, #tpu.memory_space<vmem_shared>> -> memref<128x128xf32, #tpu.memory_space<vmem_shared>>
      tpu.enqueue_dma source(%arg11 : memref<128x128xf32, #tpu.memory_space<vmem>>) target(%dma_start3A_69 : memref<128x128xf32, #tpu.memory_space<vmem_shared>>) target_semaphore(%run_scoped3A : memref<!tpu.dma_semaphore, #tpu.memory_space<semaphore_mem>>)
      %dma_wait3A_70 = arith.constant 0 : i32
      %dma_wait3A_71 = tpu.memref_slice %arg13[%add3A_3, %dma_wait3A_70] : memref<10240x128xf32, #tpu.memory_space<vmem_shared>> -> memref<128x128xf32, #tpu.memory_space<vmem_shared>>
      %dma_wait3A_72 = arith.constant 0 : i32
      %dma_wait3A_73 = tpu.memref_slice %arg13[%add3A_3, %dma_wait3A_72] : memref<10240x128xf32, #tpu.memory_space<vmem_shared>> -> memref<128x128xf32, #tpu.memory_space<vmem_shared>>
      tpu.wait_dma2 semaphore(%run_scoped3A : memref<!tpu.dma_semaphore, #tpu.memory_space<semaphore_mem>>) src(%arg11 : memref<128x128xf32, #tpu.memory_space<vmem>>) dst(%dma_wait3A_73 : memref<128x128xf32, #tpu.memory_space<vmem_shared>>)
      tpu.yield
    }) : () -> ()
    %add3A_4 = arith.constant 256 : i32
    %add3A_5 = arith.addi %mul3A_0, %add3A_4 : i32
    "tpu.region"() ({
      %run_scoped3A = tpu.sem_alloc : memref<!tpu.dma_semaphore, #tpu.memory_space<semaphore_mem>>
      %dma_start3A_66 = arith.constant 0 : i32
      %dma_start3A_67 = tpu.memref_slice %arg13[%add3A_5, %dma_start3A_66] : memref<10240x128xf32, #tpu.memory_space<vmem_shared>> -> memref<128x128xf32, #tpu.memory_space<vmem_shared>>
      %dma_start3A_68 = arith.constant 0 : i32
      %dma_start3A_69 = tpu.memref_slice %arg13[%add3A_5, %dma_start3A_68] : memref<10240x128xf32, #tpu.memory_space<vmem_shared>> -> memref<128x128xf32, #tpu.memory_space<vmem_shared>>
      tpu.enqueue_dma source(%arg11 : memref<128x128xf32, #tpu.memory_space<vmem>>) target(%dma_start3A_69 : memref<128x128xf32, #tpu.memory_space<vmem_shared>>) target_semaphore(%run_scoped3A : memref<!tpu.dma_semaphore, #tpu.memory_space<semaphore_mem>>)
      %dma_wait3A_70 = arith.constant 0 : i32
      %dma_wait3A_71 = tpu.memref_slice %arg13[%add3A_5, %dma_wait3A_70] : memref<10240x128xf32, #tpu.memory_space<vmem_shared>> -> memref<128x128xf32, #tpu.memory_space<vmem_shared>>
      %dma_wait3A_72 = arith.constant 0 : i32
      %dma_wait3A_73 = tpu.memref_slice %arg13[%add3A_5, %dma_wait3A_72] : memref<10240x128xf32, #tpu.memory_space<vmem_shared>> -> memref<128x128xf32, #tpu.memory_space<vmem_shared>>
      tpu.wait_dma2 semaphore(%run_scoped3A : memref<!tpu.dma_semaphore, #tpu.memory_space<semaphore_mem>>) src(%arg11 : memref<128x128xf32, #tpu.memory_space<vmem>>) dst(%dma_wait3A_73 : memref<128x128xf32, #tpu.memory_space<vmem_shared>>)
      tpu.yield
    }) : () -> ()
    %add3A_6 = arith.constant 384 : i32
    %add3A_7 = arith.addi %mul3A_0, %add3A_6 : i32
    "tpu.region"() ({
      %run_scoped3A = tpu.sem_alloc : memref<!tpu.dma_semaphore, #tpu.memory_space<semaphore_mem>>
      %dma_start3A_66 = arith.constant 0 : i32
      %dma_start3A_67 = tpu.memref_slice %arg13[%add3A_7, %dma_start3A_66] : memref<10240x128xf32, #tpu.memory_space<vmem_shared>> -> memref<128x128xf32, #tpu.memory_space<vmem_shared>>
      %dma_start3A_68 = arith.constant 0 : i32
      %dma_start3A_69 = tpu.memref_slice %arg13[%add3A_7, %dma_start3A_68] : memref<10240x128xf32, #tpu.memory_space<vmem_shared>> -> memref<128x128xf32, #tpu.memory_space<vmem_shared>>
      tpu.enqueue_dma source(%arg11 : memref<128x128xf32, #tpu.memory_space<vmem>>) target(%dma_start3A_69 : memref<128x128xf32, #tpu.memory_space<vmem_shared>>) target_semaphore(%run_scoped3A : memref<!tpu.dma_semaphore, #tpu.memory_space<semaphore_mem>>)
      %dma_wait3A_70 = arith.constant 0 : i32
      %dma_wait3A_71 = tpu.memref_slice %arg13[%add3A_7, %dma_wait3A_70] : memref<10240x128xf32, #tpu.memory_space<vmem_shared>> -> memref<128x128xf32, #tpu.memory_space<vmem_shared>>
      %dma_wait3A_72 = arith.constant 0 : i32
      %dma_wait3A_73 = tpu.memref_slice %arg13[%add3A_7, %dma_wait3A_72] : memref<10240x128xf32, #tpu.memory_space<vmem_shared>> -> memref<128x128xf32, #tpu.memory_space<vmem_shared>>
      tpu.wait_dma2 semaphore(%run_scoped3A : memref<!tpu.dma_semaphore, #tpu.memory_space<semaphore_mem>>) src(%arg11 : memref<128x128xf32, #tpu.memory_space<vmem>>) dst(%dma_wait3A_73 : memref<128x128xf32, #tpu.memory_space<vmem_shared>>)
      tpu.yield
    }) : () -> ()
    %add3A_8 = arith.constant 512 : i32
    %add3A_9 = arith.addi %mul3A_0, %add3A_8 : i32
    "tpu.region"() ({
      %run_scoped3A = tpu.sem_alloc : memref<!tpu.dma_semaphore, #tpu.memory_space<semaphore_mem>>
      %dma_start3A_66 = arith.constant 0 : i32
      %dma_start3A_67 = tpu.memref_slice %arg13[%add3A_9, %dma_start3A_66] : memref<10240x128xf32, #tpu.memory_space<vmem_shared>> -> memref<128x128xf32, #tpu.memory_space<vmem_shared>>
      %dma_start3A_68 = arith.constant 0 : i32
      %dma_start3A_69 = tpu.memref_slice %arg13[%add3A_9, %dma_start3A_68] : memref<10240x128xf32, #tpu.memory_space<vmem_shared>> -> memref<128x128xf32, #tpu.memory_space<vmem_shared>>
      tpu.enqueue_dma source(%arg11 : memref<128x128xf32, #tpu.memory_space<vmem>>) target(%dma_start3A_69 : memref<128x128xf32, #tpu.memory_space<vmem_shared>>) target_semaphore(%run_scoped3A : memref<!tpu.dma_semaphore, #tpu.memory_space<semaphore_mem>>)
      %dma_wait3A_70 = arith.constant 0 : i32
      %dma_wait3A_71 = tpu.memref_slice %arg13[%add3A_9, %dma_wait3A_70] : memref<10240x128xf32, #tpu.memory_space<vmem_shared>> -> memref<128x128xf32, #tpu.memory_space<vmem_shared>>
      %dma_wait3A_72 = arith.constant 0 : i32
      %dma_wait3A_73 = tpu.memref_slice %arg13[%add3A_9, %dma_wait3A_72] : memref<10240x128xf32, #tpu.memory_space<vmem_shared>> -> memref<128x128xf32, #tpu.memory_space<vmem_shared>>
      tpu.wait_dma2 semaphore(%run_scoped3A : memref<!tpu.dma_semaphore, #tpu.memory_space<semaphore_mem>>) src(%arg11 : memref<128x128xf32, #tpu.memory_space<vmem>>) dst(%dma_wait3A_73 : memref<128x128xf32, #tpu.memory_space<vmem_shared>>)
      tpu.yield
    }) : () -> ()
    %barrier3A = arith.constant 0 : index
    tpu.barrier barrier_id(%barrier3A)
    %mul3A_10 = arith.constant 16 : i32
    %mul3A_11 = arith.muli %arg0, %mul3A_10 : i32
    %add3A_12 = arith.addi %mul3A_11, %arg1 : i32
    %mul3A_13 = arith.constant 10112 : i32
    %mul3A_14 = arith.muli %add3A_12, %mul3A_13 : i32
    %add3A_15 = arith.constant 0 : i32
    %add3A_16 = arith.addi %mul3A_14, %add3A_15 : i32
    "tpu.region"() ({
      %run_scoped3A = tpu.sem_alloc : memref<!tpu.dma_semaphore, #tpu.memory_space<semaphore_mem>>
      %dma_start3A_66 = tpu.memref_slice %arg3[%add3A_16] : memref<323584xi32, #tpu.memory_space<hbm>> -> memref<128xi32, #tpu.memory_space<hbm>>
      %dma_start3A_67 = tpu.memref_slice %arg3[%add3A_16] : memref<323584xi32, #tpu.memory_space<hbm>> -> memref<128xi32, #tpu.memory_space<hbm>>
      tpu.enqueue_dma source(%dma_start3A_67 : memref<128xi32, #tpu.memory_space<hbm>>) target(%arg7 : memref<128xi32, #tpu.memory_space<vmem>>) target_semaphore(%run_scoped3A : memref<!tpu.dma_semaphore, #tpu.memory_space<semaphore_mem>>)
      %dma_wait3A_68 = tpu.memref_slice %arg3[%add3A_16] : memref<323584xi32, #tpu.memory_space<hbm>> -> memref<128xi32, #tpu.memory_space<hbm>>
      %dma_wait3A_69 = tpu.memref_slice %arg3[%add3A_16] : memref<323584xi32, #tpu.memory_space<hbm>> -> memref<128xi32, #tpu.memory_space<hbm>>
      tpu.wait_dma2 semaphore(%run_scoped3A : memref<!tpu.dma_semaphore, #tpu.memory_space<semaphore_mem>>) src(%dma_wait3A_69 : memref<128xi32, #tpu.memory_space<hbm>>) dst(%arg7 : memref<128xi32, #tpu.memory_space<vmem>>)
      tpu.yield
    }) : () -> ()
    "tpu.region"() ({
      %run_scoped3A = tpu.sem_alloc : memref<!tpu.dma_semaphore, #tpu.memory_space<semaphore_mem>>
      %dma_start3A_66 = tpu.memref_slice %arg4[%add3A_16] : memref<323584xi32, #tpu.memory_space<hbm>> -> memref<128xi32, #tpu.memory_space<hbm>>
      %dma_start3A_67 = tpu.memref_slice %arg4[%add3A_16] : memref<323584xi32, #tpu.memory_space<hbm>> -> memref<128xi32, #tpu.memory_space<hbm>>
      tpu.enqueue_dma source(%dma_start3A_67 : memref<128xi32, #tpu.memory_space<hbm>>) target(%arg8 : memref<128xi32, #tpu.memory_space<vmem>>) target_semaphore(%run_scoped3A : memref<!tpu.dma_semaphore, #tpu.memory_space<semaphore_mem>>)
      %dma_wait3A_68 = tpu.memref_slice %arg4[%add3A_16] : memref<323584xi32, #tpu.memory_space<hbm>> -> memref<128xi32, #tpu.memory_space<hbm>>
      %dma_wait3A_69 = tpu.memref_slice %arg4[%add3A_16] : memref<323584xi32, #tpu.memory_space<hbm>> -> memref<128xi32, #tpu.memory_space<hbm>>
      tpu.wait_dma2 semaphore(%run_scoped3A : memref<!tpu.dma_semaphore, #tpu.memory_space<semaphore_mem>>) src(%dma_wait3A_69 : memref<128xi32, #tpu.memory_space<hbm>>) dst(%arg8 : memref<128xi32, #tpu.memory_space<vmem>>)
      tpu.yield
    }) : () -> ()
    %dma_start3A = arith.constant 0 : i32
    %dma_start3A_17 = arith.constant 0 : i32
    %dma_start3A_18 = tpu.memref_slice %arg11[%dma_start3A, %dma_start3A_17] : memref<128x128xf32, #tpu.memory_space<vmem>> -> memref<64x128xf32, #tpu.memory_space<vmem>>
    %dma_start3A_19 = arith.constant 0 : i32
    %dma_start3A_20 = tpu.memref_slice %arg7[%dma_start3A_19] : memref<128xi32, #tpu.memory_space<vmem>> -> memref<64xi32, #tpu.memory_space<vmem>>
    %dma_start3A_21 = arith.constant 0 : i32
    %dma_start3A_22 = arith.constant 0 : i32
    %dma_start3A_23 = tpu.memref_slice %arg2[%dma_start3A_21, %dma_start3A_22] : memref<10240x128xf32, #tpu.memory_space<hbm>> -> memref<10240x128xf32, #tpu.memory_space<hbm>>
    tpu.enqueue_indirect_dma source(%dma_start3A_23 : memref<10240x128xf32, #tpu.memory_space<hbm>>) target(%dma_start3A_18 : memref<64x128xf32, #tpu.memory_space<vmem>>) offsets(%dma_start3A_20 : memref<64xi32, #tpu.memory_space<vmem>>) semaphore(%arg14 : memref<!tpu.dma_semaphore, #tpu.memory_space<semaphore_mem>>)
    %dma_start3A_24 = arith.constant 64 : i32
    %dma_start3A_25 = arith.constant 0 : i32
    %dma_start3A_26 = tpu.memref_slice %arg11[%dma_start3A_24, %dma_start3A_25] : memref<128x128xf32, #tpu.memory_space<vmem>> -> memref<64x128xf32, #tpu.memory_space<vmem>>
    %dma_start3A_27 = arith.constant 64 : i32
    %dma_start3A_28 = tpu.memref_slice %arg7[%dma_start3A_27] : memref<128xi32, #tpu.memory_space<vmem>> -> memref<64xi32, #tpu.memory_space<vmem>>
    %dma_start3A_29 = arith.constant 0 : i32
    %dma_start3A_30 = arith.constant 0 : i32
    %dma_start3A_31 = tpu.memref_slice %arg2[%dma_start3A_29, %dma_start3A_30] : memref<10240x128xf32, #tpu.memory_space<hbm>> -> memref<10240x128xf32, #tpu.memory_space<hbm>>
    tpu.enqueue_indirect_dma source(%dma_start3A_31 : memref<10240x128xf32, #tpu.memory_space<hbm>>) target(%dma_start3A_26 : memref<64x128xf32, #tpu.memory_space<vmem>>) offsets(%dma_start3A_28 : memref<64xi32, #tpu.memory_space<vmem>>) semaphore(%arg14 : memref<!tpu.dma_semaphore, #tpu.memory_space<semaphore_mem>>)
    %add3A_32 = arith.constant 128 : i32
    %add3A_33 = arith.addi %mul3A_14, %add3A_32 : i32
    %dma_start3A_34 = tpu.memref_slice %arg3[%add3A_33] : memref<323584xi32, #tpu.memory_space<hbm>> -> memref<128xi32, #tpu.memory_space<hbm>>
    %dma_start3A_35 = tpu.memref_slice %arg3[%add3A_33] : memref<323584xi32, #tpu.memory_space<hbm>> -> memref<128xi32, #tpu.memory_space<hbm>>
    tpu.enqueue_dma source(%dma_start3A_35 : memref<128xi32, #tpu.memory_space<hbm>>) target(%arg9 : memref<128xi32, #tpu.memory_space<vmem>>) target_semaphore(%arg17 : memref<!tpu.dma_semaphore, #tpu.memory_space<semaphore_mem>>)
    %dma_start3A_36 = tpu.memref_slice %arg4[%add3A_33] : memref<323584xi32, #tpu.memory_space<hbm>> -> memref<128xi32, #tpu.memory_space<hbm>>
    %dma_start3A_37 = tpu.memref_slice %arg4[%add3A_33] : memref<323584xi32, #tpu.memory_space<hbm>> -> memref<128xi32, #tpu.memory_space<hbm>>
    tpu.enqueue_dma source(%dma_start3A_37 : memref<128xi32, #tpu.memory_space<hbm>>) target(%arg10 : memref<128xi32, #tpu.memory_space<vmem>>) target_semaphore(%arg17 : memref<!tpu.dma_semaphore, #tpu.memory_space<semaphore_mem>>)
    %scan3A = arith.constant 0 : i32
    %scan3A_38 = arith.constant 0 : i32
    %scan3A_39 = arith.constant 39 : i32
    %scan3A_40 = arith.addi %scan3A_38, %scan3A_39 : i32
    %scan3A_41 = arith.constant 1 : i32
    scf.for %scan3A_66 = %scan3A_38 to %scan3A_40 step %scan3A_41  : i32 {
      %mul3A_67 = arith.constant 2 : i32
      %mul3A_68 = arith.muli %mul3A_67, %scan3A_66 : i32
      %dma_wait3A_69 = arith.constant 0 : i32
      %dma_wait3A_70 = tpu.memref_slice %arg3[%dma_wait3A_69] : memref<323584xi32, #tpu.memory_space<hbm>> -> memref<128xi32, #tpu.memory_space<hbm>>
      %dma_wait3A_71 = arith.constant 0 : i32
      %dma_wait3A_72 = tpu.memref_slice %arg3[%dma_wait3A_71] : memref<323584xi32, #tpu.memory_space<hbm>> -> memref<128xi32, #tpu.memory_space<hbm>>
      tpu.wait_dma2 semaphore(%arg17 : memref<!tpu.dma_semaphore, #tpu.memory_space<semaphore_mem>>) src(%dma_wait3A_72 : memref<128xi32, #tpu.memory_space<hbm>>) dst(%arg9 : memref<128xi32, #tpu.memory_space<vmem>>)
      %dma_wait3A_73 = arith.constant 0 : i32
      %dma_wait3A_74 = tpu.memref_slice %arg4[%dma_wait3A_73] : memref<323584xi32, #tpu.memory_space<hbm>> -> memref<128xi32, #tpu.memory_space<hbm>>
      %dma_wait3A_75 = arith.constant 0 : i32
      %dma_wait3A_76 = tpu.memref_slice %arg4[%dma_wait3A_75] : memref<323584xi32, #tpu.memory_space<hbm>> -> memref<128xi32, #tpu.memory_space<hbm>>
      tpu.wait_dma2 semaphore(%arg17 : memref<!tpu.dma_semaphore, #tpu.memory_space<semaphore_mem>>) src(%dma_wait3A_76 : memref<128xi32, #tpu.memory_space<hbm>>) dst(%arg10 : memref<128xi32, #tpu.memory_space<vmem>>)
      %dma_start3A_77 = arith.constant 0 : i32
      %dma_start3A_78 = arith.constant 0 : i32
      %dma_start3A_79 = tpu.memref_slice %arg12[%dma_start3A_77, %dma_start3A_78] : memref<128x128xf32, #tpu.memory_space<vmem>> -> memref<64x128xf32, #tpu.memory_space<vmem>>
      %dma_start3A_80 = arith.constant 0 : i32
      %dma_start3A_81 = tpu.memref_slice %arg9[%dma_start3A_80] : memref<128xi32, #tpu.memory_space<vmem>> -> memref<64xi32, #tpu.memory_space<vmem>>
      %dma_start3A_82 = arith.constant 0 : i32
      %dma_start3A_83 = arith.constant 0 : i32
      %dma_start3A_84 = tpu.memref_slice %arg2[%dma_start3A_82, %dma_start3A_83] : memref<10240x128xf32, #tpu.memory_space<hbm>> -> memref<10240x128xf32, #tpu.memory_space<hbm>>
      tpu.enqueue_indirect_dma source(%dma_start3A_84 : memref<10240x128xf32, #tpu.memory_space<hbm>>) target(%dma_start3A_79 : memref<64x128xf32, #tpu.memory_space<vmem>>) offsets(%dma_start3A_81 : memref<64xi32, #tpu.memory_space<vmem>>) semaphore(%arg15 : memref<!tpu.dma_semaphore, #tpu.memory_space<semaphore_mem>>)
      %dma_start3A_85 = arith.constant 64 : i32
      %dma_start3A_86 = arith.constant 0 : i32
      %dma_start3A_87 = tpu.memref_slice %arg12[%dma_start3A_85, %dma_start3A_86] : memref<128x128xf32, #tpu.memory_space<vmem>> -> memref<64x128xf32, #tpu.memory_space<vmem>>
      %dma_start3A_88 = arith.constant 64 : i32
      %dma_start3A_89 = tpu.memref_slice %arg9[%dma_start3A_88] : memref<128xi32, #tpu.memory_space<vmem>> -> memref<64xi32, #tpu.memory_space<vmem>>
      %dma_start3A_90 = arith.constant 0 : i32
      %dma_start3A_91 = arith.constant 0 : i32
      %dma_start3A_92 = tpu.memref_slice %arg2[%dma_start3A_90, %dma_start3A_91] : memref<10240x128xf32, #tpu.memory_space<hbm>> -> memref<10240x128xf32, #tpu.memory_space<hbm>>
      tpu.enqueue_indirect_dma source(%dma_start3A_92 : memref<10240x128xf32, #tpu.memory_space<hbm>>) target(%dma_start3A_87 : memref<64x128xf32, #tpu.memory_space<vmem>>) offsets(%dma_start3A_89 : memref<64xi32, #tpu.memory_space<vmem>>) semaphore(%arg15 : memref<!tpu.dma_semaphore, #tpu.memory_space<semaphore_mem>>)
      %dma_wait3A_93 = arith.constant 0 : i32
      %dma_wait3A_94 = arith.constant 0 : i32
      %dma_wait3A_95 = tpu.memref_slice %arg2[%dma_wait3A_93, %dma_wait3A_94] : memref<10240x128xf32, #tpu.memory_space<hbm>> -> memref<10240x128xf32, #tpu.memory_space<hbm>>
      tpu.wait_indirect_dma semaphore(%arg14 : memref<!tpu.dma_semaphore, #tpu.memory_space<semaphore_mem>>) src(%dma_wait3A_95 : memref<10240x128xf32, #tpu.memory_space<hbm>>) dst(%arg11 : memref<128x128xf32, #tpu.memory_space<vmem>>)
      "tpu.region"() ({
        %run_scoped3A = tpu.sem_alloc : memref<!tpu.dma_semaphore, #tpu.memory_space<semaphore_mem>>
        %dma_start3A_136 = arith.constant 0 : i32
        %dma_start3A_137 = arith.constant 0 : i32
        %dma_start3A_138 = tpu.memref_slice %arg13[%dma_start3A_136, %dma_start3A_137] : memref<10240x128xf32, #tpu.memory_space<vmem_shared>> -> memref<10240x128xf32, #tpu.memory_space<vmem_shared>>
        tpu.enqueue_indirect_dma source(%arg11 : memref<128x128xf32, #tpu.memory_space<vmem>>) target(%dma_start3A_138 : memref<10240x128xf32, #tpu.memory_space<vmem_shared>>) offsets(%arg8 : memref<128xi32, #tpu.memory_space<vmem>>) semaphore(%run_scoped3A : memref<!tpu.dma_semaphore, #tpu.memory_space<semaphore_mem>>) {add = true}
        %dma_wait3A_139 = arith.constant 0 : i32
        %dma_wait3A_140 = arith.constant 0 : i32
        %dma_wait3A_141 = tpu.memref_slice %arg13[%dma_wait3A_139, %dma_wait3A_140] : memref<10240x128xf32, #tpu.memory_space<vmem_shared>> -> memref<10240x128xf32, #tpu.memory_space<vmem_shared>>
        tpu.wait_indirect_dma semaphore(%run_scoped3A : memref<!tpu.dma_semaphore, #tpu.memory_space<semaphore_mem>>) src(%arg11 : memref<128x128xf32, #tpu.memory_space<vmem>>) dst(%dma_wait3A_141 : memref<10240x128xf32, #tpu.memory_space<vmem_shared>>)
        tpu.yield
      }) : () -> ()
      %add3A_96 = arith.constant 2 : i32
      %add3A_97 = arith.addi %mul3A_68, %add3A_96 : i32
      %lt3A = arith.constant 79 : i32
      %lt3A_98 = arith.cmpi slt, %add3A_97, %lt3A : i32
      %convert_element_type3A = arith.extui %lt3A_98 : i1 to i32
      %cond3A = arith.constant 0 : i32
      %cond3A_99 = arith.cmpi ne, %convert_element_type3A, %cond3A : i32
      scf.if %cond3A_99 {
        %add3A_136 = arith.constant 2 : i32
        %add3A_137 = arith.addi %mul3A_68, %add3A_136 : i32
        %mul3A_138 = arith.constant 128 : i32
        %mul3A_139 = arith.muli %add3A_137, %mul3A_138 : i32
        %add3A_140 = arith.addi %mul3A_14, %mul3A_139 : i32
        %dma_start3A_141 = tpu.memref_slice %arg3[%add3A_140] : memref<323584xi32, #tpu.memory_space<hbm>> -> memref<128xi32, #tpu.memory_space<hbm>>
        %dma_start3A_142 = tpu.memref_slice %arg3[%add3A_140] : memref<323584xi32, #tpu.memory_space<hbm>> -> memref<128xi32, #tpu.memory_space<hbm>>
        tpu.enqueue_dma source(%dma_start3A_142 : memref<128xi32, #tpu.memory_space<hbm>>) target(%arg7 : memref<128xi32, #tpu.memory_space<vmem>>) target_semaphore(%arg16 : memref<!tpu.dma_semaphore, #tpu.memory_space<semaphore_mem>>)
        %dma_start3A_143 = tpu.memref_slice %arg4[%add3A_140] : memref<323584xi32, #tpu.memory_space<hbm>> -> memref<128xi32, #tpu.memory_space<hbm>>
        %dma_start3A_144 = tpu.memref_slice %arg4[%add3A_140] : memref<323584xi32, #tpu.memory_space<hbm>> -> memref<128xi32, #tpu.memory_space<hbm>>
        tpu.enqueue_dma source(%dma_start3A_144 : memref<128xi32, #tpu.memory_space<hbm>>) target(%arg8 : memref<128xi32, #tpu.memory_space<vmem>>) target_semaphore(%arg16 : memref<!tpu.dma_semaphore, #tpu.memory_space<semaphore_mem>>)
      } else {
      }
      %add3A_100 = arith.constant 1 : i32
      %add3A_101 = arith.addi %mul3A_68, %add3A_100 : i32
      %dma_wait3A_102 = arith.constant 0 : i32
      %dma_wait3A_103 = tpu.memref_slice %arg3[%dma_wait3A_102] : memref<323584xi32, #tpu.memory_space<hbm>> -> memref<128xi32, #tpu.memory_space<hbm>>
      %dma_wait3A_104 = arith.constant 0 : i32
      %dma_wait3A_105 = tpu.memref_slice %arg3[%dma_wait3A_104] : memref<323584xi32, #tpu.memory_space<hbm>> -> memref<128xi32, #tpu.memory_space<hbm>>
      tpu.wait_dma2 semaphore(%arg16 : memref<!tpu.dma_semaphore, #tpu.memory_space<semaphore_mem>>) src(%dma_wait3A_105 : memref<128xi32, #tpu.memory_space<hbm>>) dst(%arg7 : memref<128xi32, #tpu.memory_space<vmem>>)
      %dma_wait3A_106 = arith.constant 0 : i32
      %dma_wait3A_107 = tpu.memref_slice %arg4[%dma_wait3A_106] : memref<323584xi32, #tpu.memory_space<hbm>> -> memref<128xi32, #tpu.memory_space<hbm>>
      %dma_wait3A_108 = arith.constant 0 : i32
      %dma_wait3A_109 = tpu.memref_slice %arg4[%dma_wait3A_108] : memref<323584xi32, #tpu.memory_space<hbm>> -> memref<128xi32, #tpu.memory_space<hbm>>
      tpu.wait_dma2 semaphore(%arg16 : memref<!tpu.dma_semaphore, #tpu.memory_space<semaphore_mem>>) src(%dma_wait3A_109 : memref<128xi32, #tpu.memory_space<hbm>>) dst(%arg8 : memref<128xi32, #tpu.memory_space<vmem>>)
      %dma_start3A_110 = arith.constant 0 : i32
      %dma_start3A_111 = arith.constant 0 : i32
      %dma_start3A_112 = tpu.memref_slice %arg11[%dma_start3A_110, %dma_start3A_111] : memref<128x128xf32, #tpu.memory_space<vmem>> -> memref<64x128xf32, #tpu.memory_space<vmem>>
      %dma_start3A_113 = arith.constant 0 : i32
      %dma_start3A_114 = tpu.memref_slice %arg7[%dma_start3A_113] : memref<128xi32, #tpu.memory_space<vmem>> -> memref<64xi32, #tpu.memory_space<vmem>>
      %dma_start3A_115 = arith.constant 0 : i32
      %dma_start3A_116 = arith.constant 0 : i32
      %dma_start3A_117 = tpu.memref_slice %arg2[%dma_start3A_115, %dma_start3A_116] : memref<10240x128xf32, #tpu.memory_space<hbm>> -> memref<10240x128xf32, #tpu.memory_space<hbm>>
      tpu.enqueue_indirect_dma source(%dma_start3A_117 : memref<10240x128xf32, #tpu.memory_space<hbm>>) target(%dma_start3A_112 : memref<64x128xf32, #tpu.memory_space<vmem>>) offsets(%dma_start3A_114 : memref<64xi32, #tpu.memory_space<vmem>>) semaphore(%arg14 : memref<!tpu.dma_semaphore, #tpu.memory_space<semaphore_mem>>)
      %dma_start3A_118 = arith.constant 64 : i32
      %dma_start3A_119 = arith.constant 0 : i32
      %dma_start3A_120 = tpu.memref_slice %arg11[%dma_start3A_118, %dma_start3A_119] : memref<128x128xf32, #tpu.memory_space<vmem>> -> memref<64x128xf32, #tpu.memory_space<vmem>>
      %dma_start3A_121 = arith.constant 64 : i32
      %dma_start3A_122 = tpu.memref_slice %arg7[%dma_start3A_121] : memref<128xi32, #tpu.memory_space<vmem>> -> memref<64xi32, #tpu.memory_space<vmem>>
      %dma_start3A_123 = arith.constant 0 : i32
      %dma_start3A_124 = arith.constant 0 : i32
      %dma_start3A_125 = tpu.memref_slice %arg2[%dma_start3A_123, %dma_start3A_124] : memref<10240x128xf32, #tpu.memory_space<hbm>> -> memref<10240x128xf32, #tpu.memory_space<hbm>>
      tpu.enqueue_indirect_dma source(%dma_start3A_125 : memref<10240x128xf32, #tpu.memory_space<hbm>>) target(%dma_start3A_120 : memref<64x128xf32, #tpu.memory_space<vmem>>) offsets(%dma_start3A_122 : memref<64xi32, #tpu.memory_space<vmem>>) semaphore(%arg14 : memref<!tpu.dma_semaphore, #tpu.memory_space<semaphore_mem>>)
      %dma_wait3A_126 = arith.constant 0 : i32
      %dma_wait3A_127 = arith.constant 0 : i32
      %dma_wait3A_128 = tpu.memref_slice %arg2[%dma_wait3A_126, %dma_wait3A_127] : memref<10240x128xf32, #tpu.memory_space<hbm>> -> memref<10240x128xf32, #tpu.memory_space<hbm>>
      tpu.wait_indirect_dma semaphore(%arg15 : memref<!tpu.dma_semaphore, #tpu.memory_space<semaphore_mem>>) src(%dma_wait3A_128 : memref<10240x128xf32, #tpu.memory_space<hbm>>) dst(%arg12 : memref<128x128xf32, #tpu.memory_space<vmem>>)
      "tpu.region"() ({
        %run_scoped3A = tpu.sem_alloc : memref<!tpu.dma_semaphore, #tpu.memory_space<semaphore_mem>>
        %dma_start3A_136 = arith.constant 0 : i32
        %dma_start3A_137 = arith.constant 0 : i32
        %dma_start3A_138 = tpu.memref_slice %arg13[%dma_start3A_136, %dma_start3A_137] : memref<10240x128xf32, #tpu.memory_space<vmem_shared>> -> memref<10240x128xf32, #tpu.memory_space<vmem_shared>>
        tpu.enqueue_indirect_dma source(%arg12 : memref<128x128xf32, #tpu.memory_space<vmem>>) target(%dma_start3A_138 : memref<10240x128xf32, #tpu.memory_space<vmem_shared>>) offsets(%arg10 : memref<128xi32, #tpu.memory_space<vmem>>) semaphore(%run_scoped3A : memref<!tpu.dma_semaphore, #tpu.memory_space<semaphore_mem>>) {add = true}
        %dma_wait3A_139 = arith.constant 0 : i32
        %dma_wait3A_140 = arith.constant 0 : i32
        %dma_wait3A_141 = tpu.memref_slice %arg13[%dma_wait3A_139, %dma_wait3A_140] : memref<10240x128xf32, #tpu.memory_space<vmem_shared>> -> memref<10240x128xf32, #tpu.memory_space<vmem_shared>>
        tpu.wait_indirect_dma semaphore(%run_scoped3A : memref<!tpu.dma_semaphore, #tpu.memory_space<semaphore_mem>>) src(%arg12 : memref<128x128xf32, #tpu.memory_space<vmem>>) dst(%dma_wait3A_141 : memref<10240x128xf32, #tpu.memory_space<vmem_shared>>)
        tpu.yield
      }) : () -> ()
      %add3A_129 = arith.constant 2 : i32
      %add3A_130 = arith.addi %add3A_101, %add3A_129 : i32
      %lt3A_131 = arith.constant 79 : i32
      %lt3A_132 = arith.cmpi slt, %add3A_130, %lt3A_131 : i32
      %convert_element_type3A_133 = arith.extui %lt3A_132 : i1 to i32
      %cond3A_134 = arith.constant 0 : i32
      %cond3A_135 = arith.cmpi ne, %convert_element_type3A_133, %cond3A_134 : i32
      scf.if %cond3A_135 {
        %add3A_136 = arith.constant 2 : i32
        %add3A_137 = arith.addi %add3A_101, %add3A_136 : i32
        %mul3A_138 = arith.constant 128 : i32
        %mul3A_139 = arith.muli %add3A_137, %mul3A_138 : i32
        %add3A_140 = arith.addi %mul3A_14, %mul3A_139 : i32
        %dma_start3A_141 = tpu.memref_slice %arg3[%add3A_140] : memref<323584xi32, #tpu.memory_space<hbm>> -> memref<128xi32, #tpu.memory_space<hbm>>
        %dma_start3A_142 = tpu.memref_slice %arg3[%add3A_140] : memref<323584xi32, #tpu.memory_space<hbm>> -> memref<128xi32, #tpu.memory_space<hbm>>
        tpu.enqueue_dma source(%dma_start3A_142 : memref<128xi32, #tpu.memory_space<hbm>>) target(%arg9 : memref<128xi32, #tpu.memory_space<vmem>>) target_semaphore(%arg17 : memref<!tpu.dma_semaphore, #tpu.memory_space<semaphore_mem>>)
        %dma_start3A_143 = tpu.memref_slice %arg4[%add3A_140] : memref<323584xi32, #tpu.memory_space<hbm>> -> memref<128xi32, #tpu.memory_space<hbm>>
        %dma_start3A_144 = tpu.memref_slice %arg4[%add3A_140] : memref<323584xi32, #tpu.memory_space<hbm>> -> memref<128xi32, #tpu.memory_space<hbm>>
        tpu.enqueue_dma source(%dma_start3A_144 : memref<128xi32, #tpu.memory_space<hbm>>) target(%arg10 : memref<128xi32, #tpu.memory_space<vmem>>) target_semaphore(%arg17 : memref<!tpu.dma_semaphore, #tpu.memory_space<semaphore_mem>>)
      } else {
      }
    }
    %scan3A_42 = arith.constant 39 : i32
    %dma_wait3A = arith.constant 0 : i32
    %dma_wait3A_43 = arith.constant 0 : i32
    %dma_wait3A_44 = tpu.memref_slice %arg2[%dma_wait3A, %dma_wait3A_43] : memref<10240x128xf32, #tpu.memory_space<hbm>> -> memref<10240x128xf32, #tpu.memory_space<hbm>>
    tpu.wait_indirect_dma semaphore(%arg14 : memref<!tpu.dma_semaphore, #tpu.memory_space<semaphore_mem>>) src(%dma_wait3A_44 : memref<10240x128xf32, #tpu.memory_space<hbm>>) dst(%arg11 : memref<128x128xf32, #tpu.memory_space<vmem>>)
    "tpu.region"() ({
      %run_scoped3A = tpu.sem_alloc : memref<!tpu.dma_semaphore, #tpu.memory_space<semaphore_mem>>
      %dma_start3A_66 = arith.constant 0 : i32
      %dma_start3A_67 = arith.constant 0 : i32
      %dma_start3A_68 = tpu.memref_slice %arg13[%dma_start3A_66, %dma_start3A_67] : memref<10240x128xf32, #tpu.memory_space<vmem_shared>> -> memref<10240x128xf32, #tpu.memory_space<vmem_shared>>
      tpu.enqueue_indirect_dma source(%arg11 : memref<128x128xf32, #tpu.memory_space<vmem>>) target(%dma_start3A_68 : memref<10240x128xf32, #tpu.memory_space<vmem_shared>>) offsets(%arg8 : memref<128xi32, #tpu.memory_space<vmem>>) semaphore(%run_scoped3A : memref<!tpu.dma_semaphore, #tpu.memory_space<semaphore_mem>>) {add = true}
      %dma_wait3A_69 = arith.constant 0 : i32
      %dma_wait3A_70 = arith.constant 0 : i32
      %dma_wait3A_71 = tpu.memref_slice %arg13[%dma_wait3A_69, %dma_wait3A_70] : memref<10240x128xf32, #tpu.memory_space<vmem_shared>> -> memref<10240x128xf32, #tpu.memory_space<vmem_shared>>
      tpu.wait_indirect_dma semaphore(%run_scoped3A : memref<!tpu.dma_semaphore, #tpu.memory_space<semaphore_mem>>) src(%arg11 : memref<128x128xf32, #tpu.memory_space<vmem>>) dst(%dma_wait3A_71 : memref<10240x128xf32, #tpu.memory_space<vmem_shared>>)
      tpu.yield
    }) : () -> ()
    %barrier3A_45 = arith.constant 0 : index
    tpu.barrier barrier_id(%barrier3A_45)
    %add3A_46 = arith.constant 0 : i32
    %add3A_47 = arith.addi %mul3A_0, %add3A_46 : i32
    "tpu.region"() ({
      %run_scoped3A = tpu.sem_alloc : memref<!tpu.dma_semaphore, #tpu.memory_space<semaphore_mem>>
      %dma_start3A_66 = arith.constant 0 : i32
      %dma_start3A_67 = tpu.memref_slice %arg13[%add3A_47, %dma_start3A_66] : memref<10240x128xf32, #tpu.memory_space<vmem_shared>> -> memref<128x128xf32, #tpu.memory_space<vmem_shared>>
      %dma_start3A_68 = arith.constant 0 : i32
      %dma_start3A_69 = tpu.memref_slice %arg13[%add3A_47, %dma_start3A_68] : memref<10240x128xf32, #tpu.memory_space<vmem_shared>> -> memref<128x128xf32, #tpu.memory_space<vmem_shared>>
      tpu.enqueue_dma source(%dma_start3A_69 : memref<128x128xf32, #tpu.memory_space<vmem_shared>>) target(%arg11 : memref<128x128xf32, #tpu.memory_space<vmem>>) target_semaphore(%run_scoped3A : memref<!tpu.dma_semaphore, #tpu.memory_space<semaphore_mem>>)
      %dma_wait3A_70 = arith.constant 0 : i32
      %dma_wait3A_71 = tpu.memref_slice %arg13[%add3A_47, %dma_wait3A_70] : memref<10240x128xf32, #tpu.memory_space<vmem_shared>> -> memref<128x128xf32, #tpu.memory_space<vmem_shared>>
      %dma_wait3A_72 = arith.constant 0 : i32
      %dma_wait3A_73 = tpu.memref_slice %arg13[%add3A_47, %dma_wait3A_72] : memref<10240x128xf32, #tpu.memory_space<vmem_shared>> -> memref<128x128xf32, #tpu.memory_space<vmem_shared>>
      tpu.wait_dma2 semaphore(%run_scoped3A : memref<!tpu.dma_semaphore, #tpu.memory_space<semaphore_mem>>) src(%dma_wait3A_73 : memref<128x128xf32, #tpu.memory_space<vmem_shared>>) dst(%arg11 : memref<128x128xf32, #tpu.memory_space<vmem>>)
      tpu.yield
    }) : () -> ()
    %add3A_48 = arith.constant 0 : i32
    %add3A_49 = arith.addi %mul3A_0, %add3A_48 : i32
    "tpu.region"() ({
      %run_scoped3A = tpu.sem_alloc : memref<!tpu.dma_semaphore, #tpu.memory_space<semaphore_mem>>
      %dma_start3A_66 = arith.constant 0 : i32
      %dma_start3A_67 = tpu.memref_slice %arg6[%arg0, %add3A_49, %dma_start3A_66] : memref<2x10240x128xf32, #tpu.memory_space<hbm>> -> memref<1x128x128xf32, #tpu.memory_space<hbm>>
      %dma_start3A_68 = tpu.memref_squeeze %dma_start3A_67 : memref<1x128x128xf32, #tpu.memory_space<hbm>> -> memref<128x128xf32, #tpu.memory_space<hbm>>
      %dma_start3A_69 = arith.constant 0 : i32
      %dma_start3A_70 = tpu.memref_slice %arg6[%arg0, %add3A_49, %dma_start3A_69] : memref<2x10240x128xf32, #tpu.memory_space<hbm>> -> memref<1x128x128xf32, #tpu.memory_space<hbm>>
      %dma_start3A_71 = tpu.memref_squeeze %dma_start3A_70 : memref<1x128x128xf32, #tpu.memory_space<hbm>> -> memref<128x128xf32, #tpu.memory_space<hbm>>
      tpu.enqueue_dma source(%arg11 : memref<128x128xf32, #tpu.memory_space<vmem>>) target(%dma_start3A_71 : memref<128x128xf32, #tpu.memory_space<hbm>>) target_semaphore(%run_scoped3A : memref<!tpu.dma_semaphore, #tpu.memory_space<semaphore_mem>>)
      %dma_wait3A_72 = arith.constant 0 : i32
      %dma_wait3A_73 = tpu.memref_slice %arg6[%arg0, %add3A_49, %dma_wait3A_72] : memref<2x10240x128xf32, #tpu.memory_space<hbm>> -> memref<1x128x128xf32, #tpu.memory_space<hbm>>
      %dma_wait3A_74 = tpu.memref_squeeze %dma_wait3A_73 : memref<1x128x128xf32, #tpu.memory_space<hbm>> -> memref<128x128xf32, #tpu.memory_space<hbm>>
      %dma_wait3A_75 = arith.constant 0 : i32
      %dma_wait3A_76 = tpu.memref_slice %arg6[%arg0, %add3A_49, %dma_wait3A_75] : memref<2x10240x128xf32, #tpu.memory_space<hbm>> -> memref<1x128x128xf32, #tpu.memory_space<hbm>>
      %dma_wait3A_77 = tpu.memref_squeeze %dma_wait3A_76 : memref<1x128x128xf32, #tpu.memory_space<hbm>> -> memref<128x128xf32, #tpu.memory_space<hbm>>
      tpu.wait_dma2 semaphore(%run_scoped3A : memref<!tpu.dma_semaphore, #tpu.memory_space<semaphore_mem>>) src(%arg11 : memref<128x128xf32, #tpu.memory_space<vmem>>) dst(%dma_wait3A_77 : memref<128x128xf32, #tpu.memory_space<hbm>>)
      tpu.yield
    }) : () -> ()
    %add3A_50 = arith.constant 128 : i32
    %add3A_51 = arith.addi %mul3A_0, %add3A_50 : i32
    "tpu.region"() ({
      %run_scoped3A = tpu.sem_alloc : memref<!tpu.dma_semaphore, #tpu.memory_space<semaphore_mem>>
      %dma_start3A_66 = arith.constant 0 : i32
      %dma_start3A_67 = tpu.memref_slice %arg13[%add3A_51, %dma_start3A_66] : memref<10240x128xf32, #tpu.memory_space<vmem_shared>> -> memref<128x128xf32, #tpu.memory_space<vmem_shared>>
      %dma_start3A_68 = arith.constant 0 : i32
      %dma_start3A_69 = tpu.memref_slice %arg13[%add3A_51, %dma_start3A_68] : memref<10240x128xf32, #tpu.memory_space<vmem_shared>> -> memref<128x128xf32, #tpu.memory_space<vmem_shared>>
      tpu.enqueue_dma source(%dma_start3A_69 : memref<128x128xf32, #tpu.memory_space<vmem_shared>>) target(%arg11 : memref<128x128xf32, #tpu.memory_space<vmem>>) target_semaphore(%run_scoped3A : memref<!tpu.dma_semaphore, #tpu.memory_space<semaphore_mem>>)
      %dma_wait3A_70 = arith.constant 0 : i32
      %dma_wait3A_71 = tpu.memref_slice %arg13[%add3A_51, %dma_wait3A_70] : memref<10240x128xf32, #tpu.memory_space<vmem_shared>> -> memref<128x128xf32, #tpu.memory_space<vmem_shared>>
      %dma_wait3A_72 = arith.constant 0 : i32
      %dma_wait3A_73 = tpu.memref_slice %arg13[%add3A_51, %dma_wait3A_72] : memref<10240x128xf32, #tpu.memory_space<vmem_shared>> -> memref<128x128xf32, #tpu.memory_space<vmem_shared>>
      tpu.wait_dma2 semaphore(%run_scoped3A : memref<!tpu.dma_semaphore, #tpu.memory_space<semaphore_mem>>) src(%dma_wait3A_73 : memref<128x128xf32, #tpu.memory_space<vmem_shared>>) dst(%arg11 : memref<128x128xf32, #tpu.memory_space<vmem>>)
      tpu.yield
    }) : () -> ()
    %add3A_52 = arith.constant 128 : i32
    %add3A_53 = arith.addi %mul3A_0, %add3A_52 : i32
    "tpu.region"() ({
      %run_scoped3A = tpu.sem_alloc : memref<!tpu.dma_semaphore, #tpu.memory_space<semaphore_mem>>
      %dma_start3A_66 = arith.constant 0 : i32
      %dma_start3A_67 = tpu.memref_slice %arg6[%arg0, %add3A_53, %dma_start3A_66] : memref<2x10240x128xf32, #tpu.memory_space<hbm>> -> memref<1x128x128xf32, #tpu.memory_space<hbm>>
      %dma_start3A_68 = tpu.memref_squeeze %dma_start3A_67 : memref<1x128x128xf32, #tpu.memory_space<hbm>> -> memref<128x128xf32, #tpu.memory_space<hbm>>
      %dma_start3A_69 = arith.constant 0 : i32
      %dma_start3A_70 = tpu.memref_slice %arg6[%arg0, %add3A_53, %dma_start3A_69] : memref<2x10240x128xf32, #tpu.memory_space<hbm>> -> memref<1x128x128xf32, #tpu.memory_space<hbm>>
      %dma_start3A_71 = tpu.memref_squeeze %dma_start3A_70 : memref<1x128x128xf32, #tpu.memory_space<hbm>> -> memref<128x128xf32, #tpu.memory_space<hbm>>
      tpu.enqueue_dma source(%arg11 : memref<128x128xf32, #tpu.memory_space<vmem>>) target(%dma_start3A_71 : memref<128x128xf32, #tpu.memory_space<hbm>>) target_semaphore(%run_scoped3A : memref<!tpu.dma_semaphore, #tpu.memory_space<semaphore_mem>>)
      %dma_wait3A_72 = arith.constant 0 : i32
      %dma_wait3A_73 = tpu.memref_slice %arg6[%arg0, %add3A_53, %dma_wait3A_72] : memref<2x10240x128xf32, #tpu.memory_space<hbm>> -> memref<1x128x128xf32, #tpu.memory_space<hbm>>
      %dma_wait3A_74 = tpu.memref_squeeze %dma_wait3A_73 : memref<1x128x128xf32, #tpu.memory_space<hbm>> -> memref<128x128xf32, #tpu.memory_space<hbm>>
      %dma_wait3A_75 = arith.constant 0 : i32
      %dma_wait3A_76 = tpu.memref_slice %arg6[%arg0, %add3A_53, %dma_wait3A_75] : memref<2x10240x128xf32, #tpu.memory_space<hbm>> -> memref<1x128x128xf32, #tpu.memory_space<hbm>>
      %dma_wait3A_77 = tpu.memref_squeeze %dma_wait3A_76 : memref<1x128x128xf32, #tpu.memory_space<hbm>> -> memref<128x128xf32, #tpu.memory_space<hbm>>
      tpu.wait_dma2 semaphore(%run_scoped3A : memref<!tpu.dma_semaphore, #tpu.memory_space<semaphore_mem>>) src(%arg11 : memref<128x128xf32, #tpu.memory_space<vmem>>) dst(%dma_wait3A_77 : memref<128x128xf32, #tpu.memory_space<hbm>>)
      tpu.yield
    }) : () -> ()
    %add3A_54 = arith.constant 256 : i32
    %add3A_55 = arith.addi %mul3A_0, %add3A_54 : i32
    "tpu.region"() ({
      %run_scoped3A = tpu.sem_alloc : memref<!tpu.dma_semaphore, #tpu.memory_space<semaphore_mem>>
      %dma_start3A_66 = arith.constant 0 : i32
      %dma_start3A_67 = tpu.memref_slice %arg13[%add3A_55, %dma_start3A_66] : memref<10240x128xf32, #tpu.memory_space<vmem_shared>> -> memref<128x128xf32, #tpu.memory_space<vmem_shared>>
      %dma_start3A_68 = arith.constant 0 : i32
      %dma_start3A_69 = tpu.memref_slice %arg13[%add3A_55, %dma_start3A_68] : memref<10240x128xf32, #tpu.memory_space<vmem_shared>> -> memref<128x128xf32, #tpu.memory_space<vmem_shared>>
      tpu.enqueue_dma source(%dma_start3A_69 : memref<128x128xf32, #tpu.memory_space<vmem_shared>>) target(%arg11 : memref<128x128xf32, #tpu.memory_space<vmem>>) target_semaphore(%run_scoped3A : memref<!tpu.dma_semaphore, #tpu.memory_space<semaphore_mem>>)
      %dma_wait3A_70 = arith.constant 0 : i32
      %dma_wait3A_71 = tpu.memref_slice %arg13[%add3A_55, %dma_wait3A_70] : memref<10240x128xf32, #tpu.memory_space<vmem_shared>> -> memref<128x128xf32, #tpu.memory_space<vmem_shared>>
      %dma_wait3A_72 = arith.constant 0 : i32
      %dma_wait3A_73 = tpu.memref_slice %arg13[%add3A_55, %dma_wait3A_72] : memref<10240x128xf32, #tpu.memory_space<vmem_shared>> -> memref<128x128xf32, #tpu.memory_space<vmem_shared>>
      tpu.wait_dma2 semaphore(%run_scoped3A : memref<!tpu.dma_semaphore, #tpu.memory_space<semaphore_mem>>) src(%dma_wait3A_73 : memref<128x128xf32, #tpu.memory_space<vmem_shared>>) dst(%arg11 : memref<128x128xf32, #tpu.memory_space<vmem>>)
      tpu.yield
    }) : () -> ()
    %add3A_56 = arith.constant 256 : i32
    %add3A_57 = arith.addi %mul3A_0, %add3A_56 : i32
    "tpu.region"() ({
      %run_scoped3A = tpu.sem_alloc : memref<!tpu.dma_semaphore, #tpu.memory_space<semaphore_mem>>
      %dma_start3A_66 = arith.constant 0 : i32
      %dma_start3A_67 = tpu.memref_slice %arg6[%arg0, %add3A_57, %dma_start3A_66] : memref<2x10240x128xf32, #tpu.memory_space<hbm>> -> memref<1x128x128xf32, #tpu.memory_space<hbm>>
      %dma_start3A_68 = tpu.memref_squeeze %dma_start3A_67 : memref<1x128x128xf32, #tpu.memory_space<hbm>> -> memref<128x128xf32, #tpu.memory_space<hbm>>
      %dma_start3A_69 = arith.constant 0 : i32
      %dma_start3A_70 = tpu.memref_slice %arg6[%arg0, %add3A_57, %dma_start3A_69] : memref<2x10240x128xf32, #tpu.memory_space<hbm>> -> memref<1x128x128xf32, #tpu.memory_space<hbm>>
      %dma_start3A_71 = tpu.memref_squeeze %dma_start3A_70 : memref<1x128x128xf32, #tpu.memory_space<hbm>> -> memref<128x128xf32, #tpu.memory_space<hbm>>
      tpu.enqueue_dma source(%arg11 : memref<128x128xf32, #tpu.memory_space<vmem>>) target(%dma_start3A_71 : memref<128x128xf32, #tpu.memory_space<hbm>>) target_semaphore(%run_scoped3A : memref<!tpu.dma_semaphore, #tpu.memory_space<semaphore_mem>>)
      %dma_wait3A_72 = arith.constant 0 : i32
      %dma_wait3A_73 = tpu.memref_slice %arg6[%arg0, %add3A_57, %dma_wait3A_72] : memref<2x10240x128xf32, #tpu.memory_space<hbm>> -> memref<1x128x128xf32, #tpu.memory_space<hbm>>
      %dma_wait3A_74 = tpu.memref_squeeze %dma_wait3A_73 : memref<1x128x128xf32, #tpu.memory_space<hbm>> -> memref<128x128xf32, #tpu.memory_space<hbm>>
      %dma_wait3A_75 = arith.constant 0 : i32
      %dma_wait3A_76 = tpu.memref_slice %arg6[%arg0, %add3A_57, %dma_wait3A_75] : memref<2x10240x128xf32, #tpu.memory_space<hbm>> -> memref<1x128x128xf32, #tpu.memory_space<hbm>>
      %dma_wait3A_77 = tpu.memref_squeeze %dma_wait3A_76 : memref<1x128x128xf32, #tpu.memory_space<hbm>> -> memref<128x128xf32, #tpu.memory_space<hbm>>
      tpu.wait_dma2 semaphore(%run_scoped3A : memref<!tpu.dma_semaphore, #tpu.memory_space<semaphore_mem>>) src(%arg11 : memref<128x128xf32, #tpu.memory_space<vmem>>) dst(%dma_wait3A_77 : memref<128x128xf32, #tpu.memory_space<hbm>>)
      tpu.yield
    }) : () -> ()
    %add3A_58 = arith.constant 384 : i32
    %add3A_59 = arith.addi %mul3A_0, %add3A_58 : i32
    "tpu.region"() ({
      %run_scoped3A = tpu.sem_alloc : memref<!tpu.dma_semaphore, #tpu.memory_space<semaphore_mem>>
      %dma_start3A_66 = arith.constant 0 : i32
      %dma_start3A_67 = tpu.memref_slice %arg13[%add3A_59, %dma_start3A_66] : memref<10240x128xf32, #tpu.memory_space<vmem_shared>> -> memref<128x128xf32, #tpu.memory_space<vmem_shared>>
      %dma_start3A_68 = arith.constant 0 : i32
      %dma_start3A_69 = tpu.memref_slice %arg13[%add3A_59, %dma_start3A_68] : memref<10240x128xf32, #tpu.memory_space<vmem_shared>> -> memref<128x128xf32, #tpu.memory_space<vmem_shared>>
      tpu.enqueue_dma source(%dma_start3A_69 : memref<128x128xf32, #tpu.memory_space<vmem_shared>>) target(%arg11 : memref<128x128xf32, #tpu.memory_space<vmem>>) target_semaphore(%run_scoped3A : memref<!tpu.dma_semaphore, #tpu.memory_space<semaphore_mem>>)
      %dma_wait3A_70 = arith.constant 0 : i32
      %dma_wait3A_71 = tpu.memref_slice %arg13[%add3A_59, %dma_wait3A_70] : memref<10240x128xf32, #tpu.memory_space<vmem_shared>> -> memref<128x128xf32, #tpu.memory_space<vmem_shared>>
      %dma_wait3A_72 = arith.constant 0 : i32
      %dma_wait3A_73 = tpu.memref_slice %arg13[%add3A_59, %dma_wait3A_72] : memref<10240x128xf32, #tpu.memory_space<vmem_shared>> -> memref<128x128xf32, #tpu.memory_space<vmem_shared>>
      tpu.wait_dma2 semaphore(%run_scoped3A : memref<!tpu.dma_semaphore, #tpu.memory_space<semaphore_mem>>) src(%dma_wait3A_73 : memref<128x128xf32, #tpu.memory_space<vmem_shared>>) dst(%arg11 : memref<128x128xf32, #tpu.memory_space<vmem>>)
      tpu.yield
    }) : () -> ()
    %add3A_60 = arith.constant 384 : i32
    %add3A_61 = arith.addi %mul3A_0, %add3A_60 : i32
    "tpu.region"() ({
      %run_scoped3A = tpu.sem_alloc : memref<!tpu.dma_semaphore, #tpu.memory_space<semaphore_mem>>
      %dma_start3A_66 = arith.constant 0 : i32
      %dma_start3A_67 = tpu.memref_slice %arg6[%arg0, %add3A_61, %dma_start3A_66] : memref<2x10240x128xf32, #tpu.memory_space<hbm>> -> memref<1x128x128xf32, #tpu.memory_space<hbm>>
      %dma_start3A_68 = tpu.memref_squeeze %dma_start3A_67 : memref<1x128x128xf32, #tpu.memory_space<hbm>> -> memref<128x128xf32, #tpu.memory_space<hbm>>
      %dma_start3A_69 = arith.constant 0 : i32
      %dma_start3A_70 = tpu.memref_slice %arg6[%arg0, %add3A_61, %dma_start3A_69] : memref<2x10240x128xf32, #tpu.memory_space<hbm>> -> memref<1x128x128xf32, #tpu.memory_space<hbm>>
      %dma_start3A_71 = tpu.memref_squeeze %dma_start3A_70 : memref<1x128x128xf32, #tpu.memory_space<hbm>> -> memref<128x128xf32, #tpu.memory_space<hbm>>
      tpu.enqueue_dma source(%arg11 : memref<128x128xf32, #tpu.memory_space<vmem>>) target(%dma_start3A_71 : memref<128x128xf32, #tpu.memory_space<hbm>>) target_semaphore(%run_scoped3A : memref<!tpu.dma_semaphore, #tpu.memory_space<semaphore_mem>>)
      %dma_wait3A_72 = arith.constant 0 : i32
      %dma_wait3A_73 = tpu.memref_slice %arg6[%arg0, %add3A_61, %dma_wait3A_72] : memref<2x10240x128xf32, #tpu.memory_space<hbm>> -> memref<1x128x128xf32, #tpu.memory_space<hbm>>
      %dma_wait3A_74 = tpu.memref_squeeze %dma_wait3A_73 : memref<1x128x128xf32, #tpu.memory_space<hbm>> -> memref<128x128xf32, #tpu.memory_space<hbm>>
      %dma_wait3A_75 = arith.constant 0 : i32
      %dma_wait3A_76 = tpu.memref_slice %arg6[%arg0, %add3A_61, %dma_wait3A_75] : memref<2x10240x128xf32, #tpu.memory_space<hbm>> -> memref<1x128x128xf32, #tpu.memory_space<hbm>>
      %dma_wait3A_77 = tpu.memref_squeeze %dma_wait3A_76 : memref<1x128x128xf32, #tpu.memory_space<hbm>> -> memref<128x128xf32, #tpu.memory_space<hbm>>
      tpu.wait_dma2 semaphore(%run_scoped3A : memref<!tpu.dma_semaphore, #tpu.memory_space<semaphore_mem>>) src(%arg11 : memref<128x128xf32, #tpu.memory_space<vmem>>) dst(%dma_wait3A_77 : memref<128x128xf32, #tpu.memory_space<hbm>>)
      tpu.yield
    }) : () -> ()
    %add3A_62 = arith.constant 512 : i32
    %add3A_63 = arith.addi %mul3A_0, %add3A_62 : i32
    "tpu.region"() ({
      %run_scoped3A = tpu.sem_alloc : memref<!tpu.dma_semaphore, #tpu.memory_space<semaphore_mem>>
      %dma_start3A_66 = arith.constant 0 : i32
      %dma_start3A_67 = tpu.memref_slice %arg13[%add3A_63, %dma_start3A_66] : memref<10240x128xf32, #tpu.memory_space<vmem_shared>> -> memref<128x128xf32, #tpu.memory_space<vmem_shared>>
      %dma_start3A_68 = arith.constant 0 : i32
      %dma_start3A_69 = tpu.memref_slice %arg13[%add3A_63, %dma_start3A_68] : memref<10240x128xf32, #tpu.memory_space<vmem_shared>> -> memref<128x128xf32, #tpu.memory_space<vmem_shared>>
      tpu.enqueue_dma source(%dma_start3A_69 : memref<128x128xf32, #tpu.memory_space<vmem_shared>>) target(%arg11 : memref<128x128xf32, #tpu.memory_space<vmem>>) target_semaphore(%run_scoped3A : memref<!tpu.dma_semaphore, #tpu.memory_space<semaphore_mem>>)
      %dma_wait3A_70 = arith.constant 0 : i32
      %dma_wait3A_71 = tpu.memref_slice %arg13[%add3A_63, %dma_wait3A_70] : memref<10240x128xf32, #tpu.memory_space<vmem_shared>> -> memref<128x128xf32, #tpu.memory_space<vmem_shared>>
      %dma_wait3A_72 = arith.constant 0 : i32
      %dma_wait3A_73 = tpu.memref_slice %arg13[%add3A_63, %dma_wait3A_72] : memref<10240x128xf32, #tpu.memory_space<vmem_shared>> -> memref<128x128xf32, #tpu.memory_space<vmem_shared>>
      tpu.wait_dma2 semaphore(%run_scoped3A : memref<!tpu.dma_semaphore, #tpu.memory_space<semaphore_mem>>) src(%dma_wait3A_73 : memref<128x128xf32, #tpu.memory_space<vmem_shared>>) dst(%arg11 : memref<128x128xf32, #tpu.memory_space<vmem>>)
      tpu.yield
    }) : () -> ()
    %add3A_64 = arith.constant 512 : i32
    %add3A_65 = arith.addi %mul3A_0, %add3A_64 : i32
    "tpu.region"() ({
      %run_scoped3A = tpu.sem_alloc : memref<!tpu.dma_semaphore, #tpu.memory_space<semaphore_mem>>
      %dma_start3A_66 = arith.constant 0 : i32
      %dma_start3A_67 = tpu.memref_slice %arg6[%arg0, %add3A_65, %dma_start3A_66] : memref<2x10240x128xf32, #tpu.memory_space<hbm>> -> memref<1x128x128xf32, #tpu.memory_space<hbm>>
      %dma_start3A_68 = tpu.memref_squeeze %dma_start3A_67 : memref<1x128x128xf32, #tpu.memory_space<hbm>> -> memref<128x128xf32, #tpu.memory_space<hbm>>
      %dma_start3A_69 = arith.constant 0 : i32
      %dma_start3A_70 = tpu.memref_slice %arg6[%arg0, %add3A_65, %dma_start3A_69] : memref<2x10240x128xf32, #tpu.memory_space<hbm>> -> memref<1x128x128xf32, #tpu.memory_space<hbm>>
      %dma_start3A_71 = tpu.memref_squeeze %dma_start3A_70 : memref<1x128x128xf32, #tpu.memory_space<hbm>> -> memref<128x128xf32, #tpu.memory_space<hbm>>
      tpu.enqueue_dma source(%arg11 : memref<128x128xf32, #tpu.memory_space<vmem>>) target(%dma_start3A_71 : memref<128x128xf32, #tpu.memory_space<hbm>>) target_semaphore(%run_scoped3A : memref<!tpu.dma_semaphore, #tpu.memory_space<semaphore_mem>>)
      %dma_wait3A_72 = arith.constant 0 : i32
      %dma_wait3A_73 = tpu.memref_slice %arg6[%arg0, %add3A_65, %dma_wait3A_72] : memref<2x10240x128xf32, #tpu.memory_space<hbm>> -> memref<1x128x128xf32, #tpu.memory_space<hbm>>
      %dma_wait3A_74 = tpu.memref_squeeze %dma_wait3A_73 : memref<1x128x128xf32, #tpu.memory_space<hbm>> -> memref<128x128xf32, #tpu.memory_space<hbm>>
      %dma_wait3A_75 = arith.constant 0 : i32
      %dma_wait3A_76 = tpu.memref_slice %arg6[%arg0, %add3A_65, %dma_wait3A_75] : memref<2x10240x128xf32, #tpu.memory_space<hbm>> -> memref<1x128x128xf32, #tpu.memory_space<hbm>>
      %dma_wait3A_77 = tpu.memref_squeeze %dma_wait3A_76 : memref<1x128x128xf32, #tpu.memory_space<hbm>> -> memref<128x128xf32, #tpu.memory_space<hbm>>
      tpu.wait_dma2 semaphore(%run_scoped3A : memref<!tpu.dma_semaphore, #tpu.memory_space<semaphore_mem>>) src(%arg11 : memref<128x128xf32, #tpu.memory_space<vmem>>) dst(%dma_wait3A_77 : memref<128x128xf32, #tpu.memory_space<hbm>>)
      tpu.yield
    }) : () -> ()
    return
  }
}

module attributes {stable_mosaic.version = 14 : i64} {
  func.func @_tc1a_body(%arg0: i32, %arg1: memref<1024x128xf32, #tpu.memory_space<vmem>>, %arg2: memref<128x256xf32, #tpu.memory_space<vmem>>, %arg3: memref<1x256xf32, #tpu.memory_space<vmem>>, %arg4: memref<1024x256xf32, #tpu.memory_space<vmem>>) attributes {dimension_semantics = [#tpu.dimension_semantics<arbitrary>], iteration_bounds = array<i64: 10>, scalar_prefetch = 0 : i64, scratch_operands = 0 : i64, tpu.core_type = #tpu.core_type<tc>, window_params = [{transform_indices = @transform_0, window_bounds = array<i64: 1024, 128>}, {pipeline_mode = #tpu.pipeline_mode<synchronous>, transform_indices = @transform_1, window_bounds = array<i64: 128, 256>}, {pipeline_mode = #tpu.pipeline_mode<synchronous>, transform_indices = @transform_2, window_bounds = array<i64: 1, 256>}, {transform_indices = @transform_3, window_bounds = array<i64: 1024, 256>}]} {
    %get3A = arith.constant 0 : index
    %get3A_0 = arith.constant 0 : index
    %get3A_1 = vector.load %arg3[%get3A, %get3A_0] : memref<1x256xf32, #tpu.memory_space<vmem>>, vector<1x256xf32>
    %get3A_2 = arith.constant 0 : index
    %get3A_3 = arith.constant 0 : index
    %get3A_4 = vector.load %arg1[%get3A_2, %get3A_3] : memref<1024x128xf32, #tpu.memory_space<vmem>>, vector<1024x128xf32>
    %get3A_5 = arith.constant 0 : index
    %get3A_6 = arith.constant 0 : index
    %get3A_7 = vector.load %arg2[%get3A_5, %get3A_6] : memref<128x256xf32, #tpu.memory_space<vmem>>, vector<128x256xf32>
    %dot_general3A = arith.constant dense<0.000000e+00> : vector<1024x256xf32>
    %dot_general3A_8 = tpu.matmul %get3A_4, %get3A_7, %dot_general3A {dimension_numbers = #tpu.dot_dimension_numbers<[1], [0], [0], [1], [0, 0, 1, 1], [], []>, transpose_lhs_hint = false} : vector<1024x128xf32>, vector<128x256xf32>, vector<1024x256xf32> -> vector<1024x256xf32>
    %add3A = vector.broadcast %get3A_1 : vector<1x256xf32> to vector<1024x256xf32>
    %add3A_9 = arith.addf %add3A, %dot_general3A_8 : vector<1024x256xf32>
    %swap3A = arith.constant 0 : index
    %swap3A_10 = arith.constant 0 : index
    %swap3A_11 = vector.load %arg4[%swap3A, %swap3A_10] : memref<1024x256xf32, #tpu.memory_space<vmem>>, vector<1024x256xf32>
    tpu.vector_store %arg4[%swap3A, %swap3A_10], %add3A_9 {strides = array<i32>} : memref<1024x256xf32, #tpu.memory_space<vmem>>, vector<1024x256xf32>,
    return
  }
  func.func @transform_0(%arg0: i32) -> (i32, i32) {
    %c0_i32 = arith.constant 0 : i32
    %c0_i32_0 = arith.constant 0 : i32
    return %arg0, %c0_i32 : i32, i32
  }
  func.func @transform_1(%arg0: i32) -> (i32, i32) {
    %c0_i32 = arith.constant 0 : i32
    %c0_i32_0 = arith.constant 0 : i32
    %c0_i32_1 = arith.constant 0 : i32
    return %c0_i32, %c0_i32_0 : i32, i32
  }
  func.func @transform_2(%arg0: i32) -> (i32, i32) {
    %c0_i32 = arith.constant 0 : i32
    %c0_i32_0 = arith.constant 0 : i32
    %c0_i32_1 = arith.constant 0 : i32
    return %c0_i32, %c0_i32_0 : i32, i32
  }
  func.func @transform_3(%arg0: i32) -> (i32, i32) {
    %c0_i32 = arith.constant 0 : i32
    %c0_i32_0 = arith.constant 0 : i32
    return %arg0, %c0_i32 : i32, i32
  }
}

module attributes {stable_mosaic.version = 14 : i64} {
  func.func @_tc1_body(%arg0: i32, %arg1: memref<2x1024x128xf32, #tpu.memory_space<vmem>>, %arg2: memref<2x16x1024xf32, #tpu.memory_space<vmem>>, %arg3: memref<1024x256xf32, #tpu.memory_space<vmem>>, %arg4: memref<128x256xf32, #tpu.memory_space<vmem>>, %arg5: memref<256x64xf32, #tpu.memory_space<vmem>>, %arg6: memref<256x64xf32, #tpu.memory_space<vmem>>, %arg7: memref<1024x128xf32, #tpu.memory_space<vmem>>) attributes {dimension_semantics = [#tpu.dimension_semantics<arbitrary>], iteration_bounds = array<i64: 10>, scalar_prefetch = 0 : i64, scratch_operands = 0 : i64, tpu.core_type = #tpu.core_type<tc>, window_params = [{transform_indices = @transform_0, window_bounds = array<i64: 2, 1024, 128>}, {transform_indices = @transform_1, window_bounds = array<i64: 2, 16, 1024>}, {transform_indices = @transform_2, window_bounds = array<i64: 1024, 256>}, {pipeline_mode = #tpu.pipeline_mode<synchronous>, transform_indices = @transform_3, window_bounds = array<i64: 128, 256>}, {pipeline_mode = #tpu.pipeline_mode<synchronous>, transform_indices = @transform_4, window_bounds = array<i64: 256, 64>}, {pipeline_mode = #tpu.pipeline_mode<synchronous>, transform_indices = @transform_5, window_bounds = array<i64: 256, 64>}, {transform_indices = @transform_6, window_bounds = array<i64: 1024, 128>}]} {
    %get3A = arith.constant 0 : index
    %get3A_0 = arith.constant 0 : index
    %get3A_1 = arith.constant 0 : index
    %get3A_2 = vector.load %arg1[%get3A, %get3A_0, %get3A_1] : memref<2x1024x128xf32, #tpu.memory_space<vmem>>, vector<1x1024x128xf32>
    %get3A_3 = vector.shape_cast %get3A_2 : vector<1x1024x128xf32> to vector<1024x128xf32>
    %get3A_4 = arith.constant 1 : index
    %get3A_5 = arith.constant 0 : index
    %get3A_6 = arith.constant 0 : index
    %get3A_7 = vector.load %arg1[%get3A_4, %get3A_5, %get3A_6] : memref<2x1024x128xf32, #tpu.memory_space<vmem>>, vector<1x1024x128xf32>
    %get3A_8 = vector.shape_cast %get3A_7 : vector<1x1024x128xf32> to vector<1024x128xf32>
    %add3A = arith.addf %get3A_3, %get3A_8 : vector<1024x128xf32>
    %get3A_9 = arith.constant 0 : index
    %get3A_10 = arith.constant 0 : index
    %get3A_11 = arith.constant 0 : index
    %get3A_12 = vector.load %arg2[%get3A_9, %get3A_10, %get3A_11] : memref<2x16x1024xf32, #tpu.memory_space<vmem>>, vector<2x16x1024xf32>
    %reduce_sum3A = arith.constant dense<0.000000e+00> : vector<1024xf32>
    %reduce_sum3A_13 = vector.multi_reduction <add>, %get3A_12, %reduce_sum3A [0, 1] : vector<2x16x1024xf32> to vector<1024xf32>
    %broadcast_in_dim3A = vector.shape_cast %reduce_sum3A_13 : vector<1024xf32> to vector<1024x1xf32>
    %max3A = arith.constant 1.000000e+00 : f32
    %max3A_14 = vector.broadcast %max3A : f32 to vector<1024x1xf32>
    %max3A_15 = arith.maximumf %broadcast_in_dim3A, %max3A_14 : vector<1024x1xf32>
    %div3A = vector.broadcast %max3A_15 : vector<1024x1xf32> to vector<1024x128xf32>
    %div3A_16 = arith.divf %add3A, %div3A : vector<1024x128xf32>
    %get3A_17 = arith.constant 0 : index
    %get3A_18 = arith.constant 0 : index
    %get3A_19 = vector.load %arg4[%get3A_17, %get3A_18] : memref<128x256xf32, #tpu.memory_space<vmem>>, vector<128x256xf32>
    %dot_general3A = arith.constant dense<0.000000e+00> : vector<1024x256xf32>
    %dot_general3A_20 = tpu.matmul %div3A_16, %get3A_19, %dot_general3A {dimension_numbers = #tpu.dot_dimension_numbers<[1], [0], [0], [1], [0, 0, 1, 1], [], []>, transpose_lhs_hint = false} : vector<1024x128xf32>, vector<128x256xf32>, vector<1024x256xf32> -> vector<1024x256xf32>
    %get3A_21 = arith.constant 0 : index
    %get3A_22 = arith.constant 0 : index
    %get3A_23 = vector.load %arg3[%get3A_21, %get3A_22] : memref<1024x256xf32, #tpu.memory_space<vmem>>, vector<1024x256xf32>
    %add3A_24 = arith.addf %dot_general3A_20, %get3A_23 : vector<1024x256xf32>
    %max3A_25 = arith.constant 0.000000e+00 : f32
    %max3A_26 = vector.broadcast %max3A_25 : f32 to vector<1024x256xf32>
    %max3A_27 = arith.maximumf %add3A_24, %max3A_26 : vector<1024x256xf32>
    %get3A_28 = arith.constant 0 : index
    %get3A_29 = arith.constant 0 : index
    %get3A_30 = vector.load %arg5[%get3A_28, %get3A_29] : memref<256x64xf32, #tpu.memory_space<vmem>>, vector<256x64xf32>
    %dot_general3A_31 = arith.constant dense<0.000000e+00> : vector<1024x64xf32>
    %dot_general3A_32 = tpu.matmul %max3A_27, %get3A_30, %dot_general3A_31 {dimension_numbers = #tpu.dot_dimension_numbers<[1], [0], [0], [1], [0, 0, 1, 1], [], []>, transpose_lhs_hint = false} : vector<1024x256xf32>, vector<256x64xf32>, vector<1024x64xf32> -> vector<1024x64xf32>
    %get3A_33 = arith.constant 0 : index
    %get3A_34 = arith.constant 0 : index
    %get3A_35 = vector.load %arg6[%get3A_33, %get3A_34] : memref<256x64xf32, #tpu.memory_space<vmem>>, vector<256x64xf32>
    %dot_general3A_36 = arith.constant dense<0.000000e+00> : vector<1024x64xf32>
    %dot_general3A_37 = tpu.matmul %max3A_27, %get3A_35, %dot_general3A_36 {dimension_numbers = #tpu.dot_dimension_numbers<[1], [0], [0], [1], [0, 0, 1, 1], [], []>, transpose_lhs_hint = false} : vector<1024x256xf32>, vector<256x64xf32>, vector<1024x64xf32> -> vector<1024x64xf32>
    %concatenate3A = tpu.concatenate %dot_general3A_32, %dot_general3A_37 in 1 : vector<1024x64xf32>, vector<1024x64xf32> -> vector<1024x128xf32>
    %swap3A = arith.constant 0 : index
    %swap3A_38 = arith.constant 0 : index
    %swap3A_39 = vector.load %arg7[%swap3A, %swap3A_38] : memref<1024x128xf32, #tpu.memory_space<vmem>>, vector<1024x128xf32>
    tpu.vector_store %arg7[%swap3A, %swap3A_38], %concatenate3A {strides = array<i32>} : memref<1024x128xf32, #tpu.memory_space<vmem>>, vector<1024x128xf32>,
    return
  }
  func.func @transform_0(%arg0: i32) -> (i32, i32, i32) {
    %c0_i32 = arith.constant 0 : i32
    %c0_i32_0 = arith.constant 0 : i32
    %c0_i32_1 = arith.constant 0 : i32
    return %c0_i32, %arg0, %c0_i32_0 : i32, i32, i32
  }
  func.func @transform_1(%arg0: i32) -> (i32, i32, i32) {
    %c0_i32 = arith.constant 0 : i32
    %c0_i32_0 = arith.constant 0 : i32
    %c0_i32_1 = arith.constant 0 : i32
    return %c0_i32, %c0_i32_0, %arg0 : i32, i32, i32
  }
  func.func @transform_2(%arg0: i32) -> (i32, i32) {
    %c0_i32 = arith.constant 0 : i32
    %c0_i32_0 = arith.constant 0 : i32
    return %arg0, %c0_i32 : i32, i32
  }
  func.func @transform_3(%arg0: i32) -> (i32, i32) {
    %c0_i32 = arith.constant 0 : i32
    %c0_i32_0 = arith.constant 0 : i32
    %c0_i32_1 = arith.constant 0 : i32
    return %c0_i32, %c0_i32_0 : i32, i32
  }
  func.func @transform_4(%arg0: i32) -> (i32, i32) {
    %c0_i32 = arith.constant 0 : i32
    %c0_i32_0 = arith.constant 0 : i32
    %c0_i32_1 = arith.constant 0 : i32
    return %c0_i32, %c0_i32_0 : i32, i32
  }
  func.func @transform_5(%arg0: i32) -> (i32, i32) {
    %c0_i32 = arith.constant 0 : i32
    %c0_i32_0 = arith.constant 0 : i32
    %c0_i32_1 = arith.constant 0 : i32
    return %c0_i32, %c0_i32_0 : i32, i32
  }
  func.func @transform_6(%arg0: i32) -> (i32, i32) {
    %c0_i32 = arith.constant 0 : i32
    %c0_i32_0 = arith.constant 0 : i32
    return %arg0, %c0_i32 : i32, i32
  }
}

module attributes {stable_mosaic.version = 14 : i64} {
  func.func @_tc2_body(%arg0: i32, %arg1: memref<2x1024x128xf32, #tpu.memory_space<vmem>>, %arg2: memref<2x16x1024xf32, #tpu.memory_space<vmem>>, %arg3: memref<1024x128xf32, #tpu.memory_space<vmem>>, %arg4: memref<1x64xf32, #tpu.memory_space<vmem>>, %arg5: memref<1024x64xf32, #tpu.memory_space<vmem>>) attributes {dimension_semantics = [#tpu.dimension_semantics<arbitrary>], iteration_bounds = array<i64: 10>, scalar_prefetch = 0 : i64, scratch_operands = 0 : i64, tpu.core_type = #tpu.core_type<tc>, window_params = [{transform_indices = @transform_0, window_bounds = array<i64: 2, 1024, 128>}, {transform_indices = @transform_1, window_bounds = array<i64: 2, 16, 1024>}, {transform_indices = @transform_2, window_bounds = array<i64: 1024, 128>}, {pipeline_mode = #tpu.pipeline_mode<synchronous>, transform_indices = @transform_3, window_bounds = array<i64: 1, 64>}, {transform_indices = @transform_4, window_bounds = array<i64: 1024, 64>}]} {
    %get3A = arith.constant 0 : index
    %get3A_0 = arith.constant 0 : index
    %get3A_1 = arith.constant 0 : index
    %get3A_2 = vector.load %arg1[%get3A, %get3A_0, %get3A_1] : memref<2x1024x128xf32, #tpu.memory_space<vmem>>, vector<1x1024x64xf32>
    %get3A_3 = vector.shape_cast %get3A_2 : vector<1x1024x64xf32> to vector<1024x64xf32>
    %get3A_4 = arith.constant 1 : index
    %get3A_5 = arith.constant 0 : index
    %get3A_6 = arith.constant 0 : index
    %get3A_7 = vector.load %arg1[%get3A_4, %get3A_5, %get3A_6] : memref<2x1024x128xf32, #tpu.memory_space<vmem>>, vector<1x1024x64xf32>
    %get3A_8 = vector.shape_cast %get3A_7 : vector<1x1024x64xf32> to vector<1024x64xf32>
    %add3A = arith.addf %get3A_3, %get3A_8 : vector<1024x64xf32>
    %get3A_9 = arith.constant 0 : index
    %get3A_10 = arith.constant 0 : index
    %get3A_11 = arith.constant 0 : index
    %get3A_12 = vector.load %arg2[%get3A_9, %get3A_10, %get3A_11] : memref<2x16x1024xf32, #tpu.memory_space<vmem>>, vector<2x16x1024xf32>
    %reduce_sum3A = arith.constant dense<0.000000e+00> : vector<1024xf32>
    %reduce_sum3A_13 = vector.multi_reduction <add>, %get3A_12, %reduce_sum3A [0, 1] : vector<2x16x1024xf32> to vector<1024xf32>
    %broadcast_in_dim3A = vector.shape_cast %reduce_sum3A_13 : vector<1024xf32> to vector<1024x1xf32>
    %max3A = arith.constant 1.000000e+00 : f32
    %max3A_14 = vector.broadcast %max3A : f32 to vector<1024x1xf32>
    %max3A_15 = arith.maximumf %broadcast_in_dim3A, %max3A_14 : vector<1024x1xf32>
    %div3A = vector.broadcast %max3A_15 : vector<1024x1xf32> to vector<1024x64xf32>
    %div3A_16 = arith.divf %add3A, %div3A : vector<1024x64xf32>
    %get3A_17 = arith.constant 0 : index
    %get3A_18 = arith.constant 0 : index
    %get3A_19 = vector.load %arg4[%get3A_17, %get3A_18] : memref<1x64xf32, #tpu.memory_space<vmem>>, vector<1x64xf32>
    %add3A_20 = vector.broadcast %get3A_19 : vector<1x64xf32> to vector<1024x64xf32>
    %add3A_21 = arith.addf %div3A_16, %add3A_20 : vector<1024x64xf32>
    %get3A_22 = arith.constant 0 : index
    %get3A_23 = arith.constant 64 : index
    %get3A_24 = vector.load %arg3[%get3A_22, %get3A_23] : memref<1024x128xf32, #tpu.memory_space<vmem>>, vector<1024x64xf32>
    %add3A_25 = arith.addf %add3A_21, %get3A_24 : vector<1024x64xf32>
    %reduce_max3A = arith.constant dense<0xFF800000> : vector<1024xf32>
    %reduce_max3A_26 = vector.multi_reduction <maximumf>, %add3A_25, %reduce_max3A [1] : vector<1024x64xf32> to vector<1024xf32>
    %broadcast_in_dim3A_27 = vector.shape_cast %reduce_max3A_26 : vector<1024xf32> to vector<1024x1xf32>
    %sub3A = vector.broadcast %broadcast_in_dim3A_27 : vector<1024x1xf32> to vector<1024x64xf32>
    %sub3A_28 = arith.subf %add3A_25, %sub3A : vector<1024x64xf32>
    %exp3A = math.exp %sub3A_28 : vector<1024x64xf32>
    %sub3A_29 = vector.broadcast %broadcast_in_dim3A_27 : vector<1024x1xf32> to vector<1024x64xf32>
    %sub3A_30 = arith.subf %add3A_25, %sub3A_29 : vector<1024x64xf32>
    %reduce_sum3A_31 = arith.constant dense<0.000000e+00> : vector<1024xf32>
    %reduce_sum3A_32 = vector.multi_reduction <add>, %exp3A, %reduce_sum3A_31 [1] : vector<1024x64xf32> to vector<1024xf32>
    %broadcast_in_dim3A_33 = vector.shape_cast %reduce_sum3A_32 : vector<1024xf32> to vector<1024x1xf32>
    %log3A = math.log %broadcast_in_dim3A_33 : vector<1024x1xf32>
    %sub3A_34 = vector.broadcast %log3A : vector<1024x1xf32> to vector<1024x64xf32>
    %sub3A_35 = arith.subf %sub3A_30, %sub3A_34 : vector<1024x64xf32>
    %swap3A = arith.constant 0 : index
    %swap3A_36 = arith.constant 0 : index
    %swap3A_37 = vector.load %arg5[%swap3A, %swap3A_36] : memref<1024x64xf32, #tpu.memory_space<vmem>>, vector<1024x64xf32>
    tpu.vector_store %arg5[%swap3A, %swap3A_36], %sub3A_35 {strides = array<i32>} : memref<1024x64xf32, #tpu.memory_space<vmem>>, vector<1024x64xf32>,
    return
  }
  func.func @transform_0(%arg0: i32) -> (i32, i32, i32) {
    %c0_i32 = arith.constant 0 : i32
    %c0_i32_0 = arith.constant 0 : i32
    %c0_i32_1 = arith.constant 0 : i32
    return %c0_i32, %arg0, %c0_i32_0 : i32, i32, i32
  }
  func.func @transform_1(%arg0: i32) -> (i32, i32, i32) {
    %c0_i32 = arith.constant 0 : i32
    %c0_i32_0 = arith.constant 0 : i32
    %c0_i32_1 = arith.constant 0 : i32
    return %c0_i32, %c0_i32_0, %arg0 : i32, i32, i32
  }
  func.func @transform_2(%arg0: i32) -> (i32, i32) {
    %c0_i32 = arith.constant 0 : i32
    %c0_i32_0 = arith.constant 0 : i32
    return %arg0, %c0_i32 : i32, i32
  }
  func.func @transform_3(%arg0: i32) -> (i32, i32) {
    %c0_i32 = arith.constant 0 : i32
    %c0_i32_0 = arith.constant 0 : i32
    %c0_i32_1 = arith.constant 0 : i32
    return %c0_i32, %c0_i32_0 : i32, i32
  }
  func.func @transform_4(%arg0: i32) -> (i32, i32) {
    %c0_i32 = arith.constant 0 : i32
    %c0_i32_0 = arith.constant 0 : i32
    return %arg0, %c0_i32 : i32, i32
  }
}

</mosaic_0001>

<sc_bundles>
// kernel: kernel.10.cloned.1.call-start
scs
__scs_entry_jumppad:
0x0: {  	(pc) =	sbr.rel $0x88, $3  }
0x1: {  	(tag) =	ssettag $0x0;
	lr =	simm.s32 $0x1  }
0x2: {  	[smem:$0x3F99] =	sst lr;
	_ =	strace $0xD0000000  }
0x3: {  	_ = 	snop  }
0x4: {  	_ = 	snop  }
0x5: {  	_ = 	snop  }
0x6: {  	_ = 	snop  }
0x7: {  	_ = 	snop  }
__scs_overlays_trampoline_lowered:
0x8: {  	[smem:$0x3FA8] =	sst s0  }
0x9: {  	[smem:$0x3FA9] =	sst s1  }
0xa: {  	[smem:$0x3FAA] =	sst s2  }
0xb: {  	[smem:$0x3FAB] =	sst s3  }
0xc: {  	[smem:$0x3FAC] =	sst s4  }
0xd: {  	[smem:$0x3FAD] =	sst s5  }
0xe: {  	[smem:$0x3FAE] =	sst s6  }
0xf: {  	[smem:$0x3FAF] =	sst s7  }
0x10: {  	[smem:$0x3FB0] =	sst s8  }
0x11: {  	[smem:$0x3FB1] =	sst s9;
	s0 =	simm.s32 @!p0 $0x0  }
0x12: {  	s1 =	sld [smem:$0x3F97];
	s0 =	simm.s32 @p0 $0x1  }
0x13: {  	[smem:$0x3FB2] =	sst s0;
	s0 =	simm.s32 @!p1 $0x0  }
0x14: {  	s2 =	sld [smem:$0x3F96];
	s0 =	simm.s32 @p1 $0x1  }
0x15: {  	[smem:$0x3FB3] =	sst s0;
	s0 =	simm.s32 @!p2 $0x0  }
0x16: {  	s3 =	sld [smem:$0x3FDB];
	s0 =	simm.s32 @p2 $0x1  }
0x17: {  	s4 =	simm.s32 $0x1BF5;
	[smem:$0x3FB5] =	sst s0  }
0x18: {  	s0 =	sld [smem:$0x3F98];
	_ =	swait.ge [sflag:s4], $0x0  }
0x19: {  	s7 =	sld [smem:$0x3F99]  }
0x1a: {  	s8 =	sadd.s32 $0xFFFFE003, lr  }
0x1b: {  	s9 =	sadd.s32 $0xFFFFFEF7, lr;
	s5 =	simm.s32 $0xFFFFFFFF;
	p2 =	slt.u32 s8, $0xFFFFF086  }
0x1c: {  	p1 =	slt.u32 s9, $0xF7A;
	s5 =	simm.s32 @!p2 $0x0  }
0x1d: {  	s5 =	simm.s32 @p1 $0x1;
	p0 =	seq.s32 s7, s2  }
0x1e: {  	s7 =	smul.u32 @!p0 $0xF7A, s2;
	p2 =	seq.s32 @!p0 s5, $0x0  }
0x1f: {  	s9 =	smul.u32 $0xF7A, s1;
	s8 =	simm.s32 @!p0 $0x1BF5;
	p2 =	por !p2, p0  }
0x20: {  	[sflag:s8] =	ssyncset.s32 @!p0 $0xFFFFF086;
	s6 =	sadd.s32 @!p0 s3, s7;
	s7 =	simm.s32 @!p0 $0x108  }
0x21: {  	s3 =	sadd.s32 s3, s9;
	s6 =	sadd.s32 @!p0 $0x88, s6;
	s7 =	simm.s32 @p2 $0x1082  }
0x22: {  	[simem:s7], [sflag:s8] =	dma.local @!p0 [hbm:s6], $0xF7A  }
0x23: {  	s9 =	sor.u32 $0xD0000000, s2;
	s6 =	simm.s32 $0x108;
	_ =	swait.ge @!p0 [sflag:s8], $0x0  }
0x24: {  	s3 =	sadd.s32 $0x88, s3;
	s6 =	simm.s32 @!p1 $0x1082;
	[sflag:s4] =	ssyncset.s32 $0xFFFFF086  }
0x25: {  	[simem:s6], [sflag:s4] =	dma.local [hbm:s3], $0xF7A  }
0x26: {  	[smem:$0x3F99] =	sst s1;
	(tag) =	ssettag s2;
	_ =	strace s9  }
0x27: {  	s1 =	sld [smem:$0x3FA9]  }
0x28: {  	s2 =	sld [smem:$0x3FAA]  }
0x29: {  	s4 =	sld [smem:$0x3FAC]  }
0x2a: {  	p0 =	seq.s32 s5, $0x0;
	s5 =	sld [smem:$0x3FAD]  }
0x2b: {  	s6 =	sld [smem:$0x3FAE]  }
0x2c: {  	s7 =	sld [smem:$0x3FAF]  }
0x2d: {  	s3 =	simm.s32 $0x108;
	s8 =	sld [smem:$0x3FB0]  }
0x2e: {  	s3 =	simm.s32 @!p0 $0x1082;
	s9 =	sld [smem:$0x3FB1]  }
0x2f: {  	lr =	sadd.s32 s0, s3;
	s0 =	sld [smem:$0x3FA8]  }
0x30: {  	s3 =	sld [smem:$0x3FAB]  }
0x31: {  	[smem:$0x3FB4] =	sst s10  }
0x32: {  	s10 =	sld [smem:$0x3FB2];
	_ =	sdelay $0x3  }
0x33: {  	p0 =	seq.s32 s10, $0x1;
	s10 =	sld [smem:$0x3FB4];
	_ =	sdelay $0x3  }
0x34: {  	[smem:$0x3FB4] =	sst s10  }
0x35: {  	s10 =	sld [smem:$0x3FB3];
	_ =	sdelay $0x3  }
0x36: {  	p1 =	seq.s32 s10, $0x1;
	s10 =	sld [smem:$0x3FB4];
	_ =	sdelay $0x3  }
0x37: {  	[smem:$0x3FB4] =	sst s10  }
0x38: {  	s10 =	sld [smem:$0x3FB5]  }
0x39: {  	_ = 	snop;
	(pc) =	sbr.ind lr, $3  }
0x3a: {  	_ = 	snop  }
0x3b: {  	_ = 	snop  }
0x3c: {  	p2 =	seq.s32 s10, $0x1;
	s10 =	sld [smem:$0x3FB4]  }
0x3d: {  	_ =	shalt  }
0x3e: {  	_ =	shalt  }
0x3f: {  	_ =	shalt  }
0x40: {  	_ =	shalt  }
0x41: {  	_ =	shalt  }
0x42: {  	_ =	shalt  }
0x43: {  	_ =	shalt  }
0x44: {  	_ =	shalt  }
0x45: {  	_ =	shalt  }
0x46: {  	_ =	shalt  }
0x47: {  	_ =	shalt  }
0x48: {  	_ =	shalt  }
0x49: {  	_ =	shalt  }
0x4a: {  	_ =	shalt  }
0x4b: {  	_ =	shalt  }
0x4c: {  	_ =	shalt  }
0x4d: {  	_ =	shalt  }
0x4e: {  	_ =	shalt  }
0x4f: {  	_ =	shalt  }
0x50: {  	_ =	shalt  }
0x51: {  	_ =	shalt  }
0x52: {  	_ =	shalt  }
0x53: {  	_ =	shalt  }
0x54: {  	_ =	shalt  }
0x55: {  	_ =	shalt  }
0x56: {  	_ =	shalt  }
0x57: {  	_ =	shalt  }
0x58: {  	_ =	shalt  }
0x59: {  	_ =	shalt  }
0x5a: {  	_ =	shalt  }
0x5b: {  	_ =	shalt  }
0x5c: {  	_ =	shalt  }
0x5d: {  	_ =	shalt  }
0x5e: {  	_ =	shalt  }
0x5f: {  	_ =	shalt  }
0x60: {  	_ =	shalt  }
0x61: {  	_ =	shalt  }
0x62: {  	_ =	shalt  }
0x63: {  	_ =	shalt  }
0x64: {  	_ =	shalt  }
0x65: {  	_ =	shalt  }
0x66: {  	_ =	shalt  }
0x67: {  	_ =	shalt  }
0x68: {  	_ =	shalt  }
0x69: {  	_ =	shalt  }
0x6a: {  	_ =	shalt  }
0x6b: {  	_ =	shalt  }
0x6c: {  	_ =	shalt  }
0x6d: {  	_ =	shalt  }
0x6e: {  	_ =	shalt  }
0x6f: {  	_ =	shalt  }
0x70: {  	_ =	shalt  }
0x71: {  	_ =	shalt  }
0x72: {  	_ =	shalt  }
0x73: {  	_ =	shalt  }
0x74: {  	_ =	shalt  }
0x75: {  	_ =	shalt  }
0x76: {  	_ =	shalt  }
0x77: {  	_ =	shalt  }
0x78: {  	_ =	shalt  }
0x79: {  	_ =	shalt  }
0x7a: {  	_ =	shalt  }
0x7b: {  	_ =	shalt  }
0x7c: {  	_ =	shalt  }
0x7d: {  	_ =	shalt  }
0x7e: {  	_ =	shalt  }
0x7f: {  	_ =	shalt  }
0x80: {  	_ =	shalt  }
0x81: {  	_ =	shalt  }
0x82: {  	_ =	shalt  }
0x83: {  	_ =	shalt  }
0x84: {  	_ =	shalt  }
0x85: {  	_ =	shalt  }
0x86: {  	_ =	shalt  }
0x87: {  	_ =	shalt  }
.Lfunc_end0:
.L_simem_size_0:
called_computation.1_lowered:
.L_overlay_start_0:
0x88: {  	s2 =	sld [smem:$0x3FD9]  }
0x89: {  	s3 =	sld [smem:$0x3FFE];
	_ =	sdelay $0x1  }
0x8a: {  	s1 =	srdreg.scid  }
0x8b: {  	s0 =	sand.u32 $0x1, s1  }
0x8c: {  	s16 =	sshll.u32 s0, $0xA;
	s2 =	sadd.s32 s3, s2  }
0x8d: {  	s2 =	sadd.s32 s2, s16  }
0x8e: {  	[smem:$0x3FC0] =	sst s2  }
0x8f: {  	_ = 	snop  }
0x90: {  	(tm) =	ssettm $0x1  }
0x91: {  	s17 =	sld [smem:$0x3FFB];
	_ =	sdelay $0x3  }
0x92: {  	_ =	strace s17  }
0x93: {  	s2 =	sld [smem:$0x3FFC];
	_ =	sdelay $0x3  }
0x94: {  	_ =	strace s2  }
0x95: {  	s2 =	sld [smem:$0x3FFD];
	_ =	sdelay $0x3  }
0x96: {  	_ =	strace s2  }
0x97: {  	_ =	strace $0x8FFFFFFF  }
0x98: {  	s18 =	sld [smem:$0x3FDB];
	_ =	sdelay $0x1  }
0x99: {  	s19 =	simm.s32 $_scs_section_size  }
0x9a: {  	s4 =	simm.s32 $_size__tile_overlayer_lowered;
	s5 =	simm.s32 $_tile_overlayer_lowered  }
0x9b: {  	s22 =	simm.s32 $0x1BFF;
	s21 =	sshll.u32 s5, $0x1;
	s2 =	sadd.s32 s19, s18  }
0x9c: {  	s6 =	simm.s32 $0x0;
	s20 =	sshll.u32 s4, $0x1;
	s4 =	sadd.s32 s21, s2  }
0x9d: {  	[timem:s6], [sflag:s22] =	dma.local [hbm:s4], s20  }
0x9e: {  	_ =	swait.ge [sflag:s22], s20  }
0x9f: {  	s3 =	ssub.s32 $0x0, s20;
	[sflag:s22] =	ssyncset.done $0x0  }
0xa0: {  	[sflag:s22] =	ssyncadd.s32 s3;
	_ =	sdelay $0x1  }
0xa1: {  	s23 =	simm.s32 $0x1B8B  }
0xa2: {  	_ =	swait.ge [sflag:s23], $0x1  }
0xa3: {  	[sflag:s23] =	ssyncset.done $0x0  }
0xa4: {  	s25 =	simm.s32 $0x1B8E;
	s24 =	sld [smem:$0x3FFE];
	[sflag:s23] =	ssyncadd.s32 $0xFFFFFFFF  }
0xa5: {  	s26 =	simm.s32 $execute0_lowered;
	[smem:$0x3FD2] =	sst s25  }
0xa6: {  	s4 =	sshll.u32 s26, $0x1;
	_ =	strace $0x80000049;
	[dreg:$0x1] =	wrdreg $0xFFFFFFFF  }
0xa7: {  	s28 =	simm.s32 $_size_execute0_lowered;
	s2 =	sadd.s32 s2, s4;
	[dreg:$0x0] =	wrdreg $0x0  }
0xa8: {  	s4 =	sshll.u32 s28, $0x1;
	[dreg:$0x2] =	wrdreg s2  }
0xa9: {  	[dreg:$0x3] =	wrdreg s4  }
0xaa: {  	[dreg:$0x4] =	wrdreg $0xC0  }
0xab: {  	_ =	task [dreg:s6], $0x5FFFF  }
0xac: {  	[dreg:$0x1] =	wrdreg $0xFFFFFFFF  }
0xad: {  	[dreg:$0x0] =	wrdreg $0x60  }
0xae: {  	[dreg:$0x2] =	wrdreg s24  }
0xaf: {  	[dreg:$0x3] =	wrdreg $0x82000  }
0xb0: {  	[dreg:$0x4] =	wrdreg $0x9  }
0xb1: {  	_ =	task.clear_ibuf [dreg:s6], $0x5FFFF;
	_ =	strace $0x90000049  }
0xb2: {  	s29 =	simm.s32 $0x9;
	_ =	strace $0x8000004B  }
0xb3: {  	_ =	swait.ge [sflag:s29], $0x1  }
0xb4: {  	[sflag:s29] =	ssyncadd.s32 $0xFFFFFFFF  }
0xb5: {  	_ =	strace $0x9000004B  }
0xb6: {  	_ =	sfence  }
0xb7: {  	s30 =	sld [smem:$0x0];
	_ =	sdelay $0x2  }
0xb8: {  	s31 =	sshll.u32 s1, $0xD;
	s1 =	sshrl.u32 s1, $0x2  }
0xb9: {  	s3 =	sand.u32 $0x4000, s31;
	s1 =	sadd.s32 s1, s30  }
0xba: {  	s0 =	sor.u32 s3, s0;
	s1 =	sshll.u32 s1, $0x11  }
0xbb: {  	s0 =	sor.u32 s1, s0  }
0xbc: {  	s0 =	sadd.s32 $0x8F2B, s0  }
0xbd: {  	[sflag:s0] =	ssyncadd.remote.s32 $0x1  }
0xbe: {  	_ =	sfence.sel $0xFFFF  }
0xbf: {  	[dreg:$0x0] =	wrdreg $0xFFFFFFFF;
	(pc) =	sbr.abs _section_cstart, $3  }
0xc0: {  	[dreg:$0x1] =	wrdreg $0xFFFFFFFF  }
0xc1: {  	_ =	task.clear_ibuf [dreg:s6], $0x2FFFF;
	_ =	strace $0x9FFFFFFF  }
0xc2: {  	(tm) =	ssettm $0x7FFFFFFF  }
0xc3: {  	_ =	shalt  }
tec
execute0_lowered:
.L_overlay_start_1:
0x0: {  	(tag) =	ssettag $0x1  }
0x1: {  	s0 =	rddreg [dreg:$0x0]  }
0x2: {  	s1 =	rddreg [dreg:$0x1];
	s2 =	simm.s32 $0x0  }
0x3: {  	s3 =	srdreg.scid;
	s21 =	stileid.u32;
	s29 =	simm.s32 $0x200  }
0x4: {  	s30 =	simm.s32 $0x5;
	s31 =	simm.s32 $0x80;
	[smem:$0x7FF] =	sst s2  }
0x5: {  	s4 =	sadd.s32 $0x16A00, s0;
	s5 =	sadd.s32 $0xCC00, s0;
	s6 =	sadd.s32 $0x2E00, s0  }
0x6: {  	s3 =	sand.u32 $0x1, s3;
	s7 =	sadd.s32 $0x3EA00, s0;
	s8 =	smul.u32 $0x50000, s21  }
0x7: {  	s0 =	sadd.s32 $0x3F200, s0;
	s13 =	smul.u32 $0x14000, s21;
	_ =	strace $0x8000004A  }
0x8: {  	[dreg:$0x3] =	wrdreg s7;
	s10 =	ssub.s32 $0x2, s3;
	s19 =	smul.u32 $0x140000, s3  }
0x9: {  	s11 =	sshll.u32 s3, $0x4;
	s3 =	smul.u32 $0x27800, s3;
	s9 =	sshrl.u32 s10, $0x1  }
0xa: {  	s8 =	sshrl.u32 s8, $0x2;
	s14 =	sadd.s32 $0x4000, s13;
	s15 =	sadd.s32 $0x8000, s13  }
0xb: {  	s16 =	sadd.s32 $0xC000, s13;
	s17 =	sadd.s32 $0x10000, s13;
	s7 =	ssub.s32 s10, s9  }
0xc: {  	s22 =	sadd.s32 s8, s1;
	s9 =	sor.u32 s21, s11;
	s23 =	sadd.s32 s15, s1  }
0xd: {  	s24 =	sadd.s32 s16, s1;
	s28 =	sadd.s32 s17, s1;
	s13 =	sadd.s32 s13, s19  }
0xe: {  	s15 =	sadd.s32 s19, s15;
	s8 =	sadd.s32 s19, s16;
	s11 =	smul.u32 $0x2780, s21  }
0xf: {  	s16 =	simm.s32 $0x140;
	s12 =	smul.u32 $0x2780, s9;
	s9 =	sadd.s32 s14, s1  }
0x10: {  	s14 =	sadd.s32 s19, s14;
	s13 =	sshrl.u32 s13, $0x3;
	[dreg:$0x4] =	wrdreg s28  }
0x11: {  	[dreg:$0x5] =	wrdreg s24;
	s14 =	sshrl.u32 s14, $0x3;
	s13 =	sadd.s32 s0, s13  }
0x12: {  	s18 =	sshrl.u32 s12, $0x3;
	[dreg:$0x8] =	wrdreg s13;
	s25 =	sadd.s32 s0, s14  }
0x13: {  	s26 =	sshrl.u32 s15, $0x3;
	s10 =	sadd.s32 s5, s18;
	[dreg:$0x9] =	wrdreg s25  }
0x14: {  	s14 =	sshrl.u32 s8, $0x3;
	s12 =	sadd.s32 s6, s18;
	[dreg:$0x6] =	wrdreg s10  }
0x15: {  	s20 =	sadd.s32 $0x10, s18;
	s13 =	sadd.s32 s0, s14;
	[dreg:$0x7] =	wrdreg s12  }
0x16: {  	s10 =	sadd.s32 s19, s17;
	s12 =	sadd.s32 s0, s26;
	[dreg:$0xb] =	wrdreg s13  }
0x17: {  	s14 =	sadd.s32 s5, s20;
	s17 =	sadd.s32 s11, s3;
	[dreg:$0xa] =	wrdreg s12  }
0x18: {  	s19 =	smax.u32 s7, $0x1;
	s7 =	simm.s32 $0x100;
	[dreg:$0xd] =	wrdreg s14  }
0x19: {  	s13 =	simm.s32 $0x180;
	s15 =	sshrl.u32 s10, $0x3;
	[dreg:$0xf] =	wrdreg s19  }
0x1a: {  	s21 =	sadd.s32 $0x180, s17;
	s14 =	simm.s32 $0x4;
	s19 =	simm.s32 $0x3  }
0x1b: {  	s0 =	sadd.s32 s0, s15;
	s15 =	sadd.s32 s6, s20;
	s20 =	sadd.s32 $0x4E0, s18  }
0x1c: {  	s26 =	sshrl.u32 s21, $0x3;
	s18 =	simm.s32 $0x1;
	[dreg:$0xc] =	wrdreg s0  }
0x1d: {  	s21 =	simm.s32 $0x0;
	[dreg:$0xe] =	wrdreg s15;
	s25 =	sadd.s32 s5, s20  }
0x1e: {  	s3 =	sadd.s32 s6, s20;
	s0 =	sadd.s32 $0x100, s17;
	s15 =	simm.s32 $0x4200  }
0x1f: {  	s17 =	simm.s32 $0x6200;
	s20 =	simm.s32 $0x2;
	[dreg:$0x10] =	wrdreg s25  }
0x20: {  	[dreg:$0x11] =	wrdreg s3;
	s25 =	sadd.s32 s26, s6;
	s26 =	sadd.s32 s26, s5  }
0x21: {  	[dreg:$0x12] =	wrdreg s0;
	s0 =	simm.s32 $0x40;
	s3 =	simm.s32 $0x2200  }
.LBB2_1:
0x22: {  	s8 =	rddreg [dreg:$0x3]  }
0x23: {  	[tilespmem:s29], [sflag:$0x5] =	stream.linear.gather [hbm4b:s8+s2], $0x4000, $0x38;
	[tilespmem:$0x1C200] =	vst v63  }
0x24: {  	_ =	swait.ge [sflag:s30], $0x4000  }
0x25: {  	[sflag:s30] =	ssyncset.done $0x0  }
0x26: {  	[sflag:s30] =	ssyncadd.s32 $0xFFFFC000  }
0x27: {  	[spmem:s22] =	stream.linear.scatter [tilespmem:s29], [sflag:$0x5], $0x4000, $0x38;
	[tilespmem:$0x1C200] =	vst v63  }
0x28: {  	_ =	swait.ge [sflag:s30], $0x4000  }
0x29: {  	[sflag:s30] =	ssyncset.done $0x0  }
0x2a: {  	[sflag:s30] =	ssyncadd.s32 $0xFFFFC000  }
0x2b: {  	[spmem:s9] =	stream.linear.scatter [tilespmem:s29], [sflag:$0x5], $0x4000, $0x38;
	[tilespmem:$0x1C200] =	vst v63  }
0x2c: {  	_ =	swait.ge [sflag:s30], $0x4000  }
0x2d: {  	[sflag:s30] =	ssyncset.done $0x0  }
0x2e: {  	[sflag:s30] =	ssyncadd.s32 $0xFFFFC000  }
0x2f: {  	[spmem:s23] =	stream.linear.scatter [tilespmem:s29], [sflag:$0x5], $0x4000, $0x38;
	[tilespmem:$0x1C200] =	vst v63  }
0x30: {  	_ =	swait.ge [sflag:s30], $0x4000  }
0x31: {  	[sflag:s30] =	ssyncset.done $0x0  }
0x32: {  	[sflag:s30] =	ssyncadd.s32 $0xFFFFC000  }
0x33: {  	[spmem:s24] =	stream.linear.scatter [tilespmem:s29], [sflag:$0x5], $0x4000, $0x38;
	[tilespmem:$0x1C200] =	vst v63  }
0x34: {  	_ =	swait.ge [sflag:s30], $0x4000  }
0x35: {  	[sflag:s30] =	ssyncset.done $0x0  }
0x36: {  	[sflag:s30] =	ssyncadd.s32 $0xFFFFC000  }
0x37: {  	[spmem:s28] =	stream.linear.scatter [tilespmem:s29], [sflag:$0x5], $0x4000, $0x38;
	[tilespmem:$0x1C200] =	vst v63  }
0x38: {  	_ =	swait.ge [sflag:s30], $0x4000  }
0x39: {  	[sflag:s30] =	ssyncset.done $0x0  }
0x3a: {  	[sflag:s30] =	ssyncadd.s32 $0xFFFFC000  }
0x3b: {  	[bflag:$0x0] =	sbarrier.arrive $0xFFFF  }
0x3c: {  	s10 =	smov.u32 s22;
	s22 =	rddreg [dreg:$0x6]  }
0x3d: {  	[tilespmem:s2], [sflag:$0x5] =	stream.linear.gather [hbm4b:s22+s2], $0x80, $0x38;
	[tilespmem:$0x1C200] =	vst v63  }
0x3e: {  	_ =	swait.ge [sflag:s30], $0x80  }
0x3f: {  	[sflag:s30] =	ssyncset.done $0x0  }
0x40: {  	s12 =	smov.u32 s23;
	s23 =	rddreg [dreg:$0x7];
	[sflag:s30] =	ssyncadd.s32 $0xFFFFFF80  }
0x41: {  	[tilespmem:s31], [sflag:$0x5] =	stream.linear.gather [hbm4b:s23+s2], $0x80, $0x38;
	[tilespmem:$0x1C200] =	vst v63  }
0x42: {  	_ =	swait.ge [sflag:s30], $0x80  }
0x43: {  	[sflag:s30] =	ssyncset.done $0x0  }
0x44: {  	[sflag:s30] =	ssyncadd.s32 $0xFFFFFF80  }
0x45: {  	[tilespmem:s29], [sflag:$0x1] =	stream.indirect.gather [hbm4b:s4+s0], $0x80, s2, s0, $0xb8;
	[tilespmem:$0x1C200] =	vst v63  }
0x46: {  	_ = 	snop  }
0x47: {  	[tilespmem:s3], [sflag:$0x1] =	stream.indirect.gather [hbm4b:s4+s0], $0x80, s0, s0, $0xb8;
	[tilespmem:$0x1C200] =	vst v63  }
0x48: {  	s24 =	rddreg [dreg:$0xd]  }
0x49: {  	[tilespmem:s7], [sflag:$0x4] =	stream.linear.gather [hbm4b:s24+s2], $0x80, $0x38;
	[tilespmem:$0x1C200] =	vst v63  }
0x4a: {  	s28 =	rddreg [dreg:$0xe]  }
0x4b: {  	[tilespmem:s13], [sflag:$0x4] =	stream.linear.gather [hbm4b:s28+s2], $0x80, $0x38;
	[tilespmem:$0x1C200] =	vst v63  }
0x4c: {  	_ =	swait.ge [sflag:s14], $0x80  }
0x4d: {  	[sflag:s14] =	ssyncset.done $0x0  }
0x4e: {  	[sflag:s14] =	ssyncadd.s32 $0xFFFFFF80  }
0x4f: {  	_ =	swait.ge [sflag:s14], $0x80  }
0x50: {  	[sflag:s14] =	ssyncset.done $0x0  }
0x51: {  	[sflag:s14] =	ssyncadd.s32 $0xFFFFFF80  }
0x52: {  	[tilespmem:s15], [sflag:$0x2] =	stream.indirect.gather [hbm4b:s4+s0], $0x80, s7, s0, $0xb8;
	[tilespmem:$0x1C200] =	vst v63  }
0x53: {  	_ = 	snop  }
0x54: {  	[tilespmem:s17], [sflag:$0x2] =	stream.indirect.gather [hbm4b:s4+s0], $0x80, s16, s0, $0xb8;
	[tilespmem:$0x1C200] =	vst v63  }
0x55: {  	_ =	swait.ge [sflag:s18], $0x4000  }
0x56: {  	[sflag:s18] =	ssyncset.done $0x0  }
0x57: {  	[sflag:s18] =	ssyncadd.s32 $0xFFFFC000  }
0x58: {  	[spmem:s1] =	stream.indirect.scatter.add.f32 [tilespmem:s29], [sflag:$0x5], $0x80, s31, s31, $0xb8;
	[tilespmem:$0x1C200] =	vst v63  }
0x59: {  	_ =	swait.ge [sflag:s30], $0x4000  }
0x5a: {  	s8 =	rddreg [dreg:$0x12]  }
0x5b: {  	s11 =	smov.u32 s9;
	[sflag:s30] =	ssyncset.done $0x0;
	s9 =	sshrl.u32 s8, $0x3  }
0x5c: {  	[sflag:s30] =	ssyncadd.s32 $0xFFFFC000;
	s24 =	sadd.s32 s5, s9  }
0x5d: {  	[tilespmem:s2], [sflag:$0x3] =	stream.linear.gather [hbm4b:s24+s2], $0x80, $0x38;
	[tilespmem:$0x1C200] =	vst v63  }
0x5e: {  	s22 =	sadd.s32 s6, s9  }
0x5f: {  	[tilespmem:s31], [sflag:$0x3] =	stream.linear.gather [hbm4b:s22+s2], $0x80, $0x38;
	[tilespmem:$0x1C200] =	vst v63  }
0x60: {  	_ =	swait.ge [sflag:s19], $0x80  }
0x61: {  	[sflag:s19] =	ssyncset.done $0x0  }
0x62: {  	[sflag:s19] =	ssyncadd.s32 $0xFFFFFF80  }
0x63: {  	_ =	swait.ge [sflag:s19], $0x80  }
0x64: {  	[sflag:s19] =	ssyncset.done $0x0  }
0x65: {  	[sflag:s19] =	ssyncadd.s32 $0xFFFFFF80  }
0x66: {  	[tilespmem:s29], [sflag:$0x1] =	stream.indirect.gather [hbm4b:s4+s0], $0x80, s2, s0, $0xb8;
	[tilespmem:$0x1C200] =	vst v63  }
0x67: {  	_ = 	snop  }
0x68: {  	[tilespmem:s3], [sflag:$0x1] =	stream.indirect.gather [hbm4b:s4+s0], $0x80, s0, s0, $0xb8;
	[tilespmem:$0x1C200] =	vst v63  }
0x69: {  	_ =	swait.ge [sflag:s20], $0x4000  }
0x6a: {  	[sflag:s20] =	ssyncset.done $0x0  }
0x6b: {  	[sflag:s20] =	ssyncadd.s32 $0xFFFFC000  }
0x6c: {  	[spmem:s1] =	stream.indirect.scatter.add.f32 [tilespmem:s15], [sflag:$0x5], $0x80, s13, s31, $0xb8;
	[tilespmem:$0x1C200] =	vst v63  }
0x6d: {  	_ =	swait.ge [sflag:s30], $0x4000  }
0x6e: {  	s28 =	sadd.s32 $0x0, s26;
	s23 =	sadd.s32 $0x100, s8;
	[sflag:s30] =	ssyncset.done $0x0  }
0x6f: {  	s24 =	sadd.s32 $0x0, s25;
	s22 =	simm.s32 $0x20;
	[sflag:s30] =	ssyncadd.s32 $0xFFFFC000  }
0x70: {  	[tilespmem:s7], [sflag:$0x4] =	stream.linear.gather [hbm4b:s28+s2], $0x80, $0x38;
	[tilespmem:$0x1C200] =	vst v63  }
.LBB2_2:
0x71: {  	[tilespmem:s13], [sflag:$0x4] =	stream.linear.gather [hbm4b:s24+s2], $0x80, $0x38;
	[tilespmem:$0x1C200] =	vst v63  }
0x72: {  	s24 =	smov.u32 s22  }
0x73: {  	p0 =	sne.s32 s22, $0x4A0;
	s22 =	sadd.s32 $0x20, s22;
	_ =	swait.ge [sflag:s14], $0x80  }
0x74: {  	[sflag:s14] =	ssyncset.done $0x0  }
0x75: {  	[sflag:s14] =	ssyncadd.s32 $0xFFFFFF80  }
0x76: {  	_ =	swait.ge [sflag:s14], $0x80  }
0x77: {  	[sflag:s14] =	ssyncset.done $0x0  }
0x78: {  	[sflag:s14] =	ssyncadd.s32 $0xFFFFFF80  }
0x79: {  	[tilespmem:s15], [sflag:$0x2] =	stream.indirect.gather [hbm4b:s4+s0], $0x80, s7, s0, $0xb8;
	[tilespmem:$0x1C200] =	vst v63  }
0x7a: {  	_ = 	snop  }
0x7b: {  	[tilespmem:s17], [sflag:$0x2] =	stream.indirect.gather [hbm4b:s4+s0], $0x80, s16, s0, $0xb8;
	[tilespmem:$0x1C200] =	vst v63  }
0x7c: {  	_ =	swait.ge [sflag:s18], $0x4000  }
0x7d: {  	[sflag:s18] =	ssyncset.done $0x0  }
0x7e: {  	[sflag:s18] =	ssyncadd.s32 $0xFFFFC000  }
0x7f: {  	[spmem:s1] =	stream.indirect.scatter.add.f32 [tilespmem:s29], [sflag:$0x5], $0x80, s31, s31, $0xb8;
	[tilespmem:$0x1C200] =	vst v63  }
0x80: {  	_ =	swait.ge [sflag:s30], $0x4000  }
0x81: {  	s8 =	sshrl.u32 s23, $0x3;
	[sflag:s30] =	ssyncset.done $0x0  }
0x82: {  	s9 =	sadd.s32 s5, s8;
	[sflag:s30] =	ssyncadd.s32 $0xFFFFC000  }
0x83: {  	[tilespmem:s2], [sflag:$0x3] =	stream.linear.gather [hbm4b:s9+s2], $0x80, $0x38;
	[tilespmem:$0x1C200] =	vst v63  }
0x84: {  	s8 =	sadd.s32 s6, s8  }
0x85: {  	[tilespmem:s31], [sflag:$0x3] =	stream.linear.gather [hbm4b:s8+s2], $0x80, $0x38;
	[tilespmem:$0x1C200] =	vst v63  }
0x86: {  	_ =	swait.ge [sflag:s19], $0x80  }
0x87: {  	[sflag:s19] =	ssyncset.done $0x0  }
0x88: {  	[sflag:s19] =	ssyncadd.s32 $0xFFFFFF80  }
0x89: {  	_ =	swait.ge [sflag:s19], $0x80  }
0x8a: {  	[sflag:s19] =	ssyncset.done $0x0  }
0x8b: {  	[sflag:s19] =	ssyncadd.s32 $0xFFFFFF80  }
0x8c: {  	[tilespmem:s29], [sflag:$0x1] =	stream.indirect.gather [hbm4b:s4+s0], $0x80, s2, s0, $0xb8;
	[tilespmem:$0x1C200] =	vst v63  }
0x8d: {  	_ = 	snop  }
0x8e: {  	[tilespmem:s3], [sflag:$0x1] =	stream.indirect.gather [hbm4b:s4+s0], $0x80, s0, s0, $0xb8;
	[tilespmem:$0x1C200] =	vst v63  }
0x8f: {  	_ =	swait.ge [sflag:s20], $0x4000  }
0x90: {  	[sflag:s20] =	ssyncset.done $0x0  }
0x91: {  	[sflag:s20] =	ssyncadd.s32 $0xFFFFC000  }
0x92: {  	[spmem:s1] =	stream.indirect.scatter.add.f32 [tilespmem:s15], [sflag:$0x5], $0x80, s13, s31, $0xb8;
	[tilespmem:$0x1C200] =	vst v63  }
.Ltmp0:
0x93: {  	_ =	swait.ge [sflag:s30], $0x4000;
	(pc) =	sbr.rel @p0 .LBB2_2-.Ltmp0, $4  }
0x94: {  	[sflag:s30] =	ssyncset.done $0x0  }
0x95: {  	s8 =	sadd.s32 s24, s26;
	[sflag:s30] =	ssyncadd.s32 $0xFFFFC000  }
0x96: {  	[tilespmem:s7], [sflag:$0x4] =	stream.linear.gather [hbm4b:s8+s2], $0x80, $0x38;
	[tilespmem:$0x1C200] =	vst v63  }
0x97: {  	s23 =	sadd.s32 $0x100, s23;
	s24 =	sadd.s32 s24, s25  }
0x98: {  	[tilespmem:s13], [sflag:$0x4] =	stream.linear.gather [hbm4b:s24+s2], $0x80, $0x38;
	[tilespmem:$0x1C200] =	vst v63  }
0x99: {  	_ =	swait.ge [sflag:s14], $0x80  }
0x9a: {  	[sflag:s14] =	ssyncset.done $0x0  }
0x9b: {  	[sflag:s14] =	ssyncadd.s32 $0xFFFFFF80  }
0x9c: {  	_ =	swait.ge [sflag:s14], $0x80  }
0x9d: {  	[sflag:s14] =	ssyncset.done $0x0  }
0x9e: {  	[sflag:s14] =	ssyncadd.s32 $0xFFFFFF80  }
0x9f: {  	[tilespmem:s15], [sflag:$0x2] =	stream.indirect.gather [hbm4b:s4+s0], $0x80, s7, s0, $0xb8;
	[tilespmem:$0x1C200] =	vst v63  }
0xa0: {  	_ = 	snop  }
0xa1: {  	[tilespmem:s17], [sflag:$0x2] =	stream.indirect.gather [hbm4b:s4+s0], $0x80, s16, s0, $0xb8;
	[tilespmem:$0x1C200] =	vst v63  }
0xa2: {  	_ =	swait.ge [sflag:s18], $0x4000  }
0xa3: {  	[sflag:s18] =	ssyncset.done $0x0  }
0xa4: {  	[sflag:s18] =	ssyncadd.s32 $0xFFFFC000  }
0xa5: {  	[spmem:s1] =	stream.indirect.scatter.add.f32 [tilespmem:s29], [sflag:$0x5], $0x80, s31, s31, $0xb8;
	[tilespmem:$0x1C200] =	vst v63  }
0xa6: {  	_ =	swait.ge [sflag:s30], $0x4000  }
0xa7: {  	[sflag:s30] =	ssyncset.done $0x0  }
0xa8: {  	s8 =	rddreg [dreg:$0x10];
	[sflag:s30] =	ssyncadd.s32 $0xFFFFC000  }
0xa9: {  	[tilespmem:s2], [sflag:$0x3] =	stream.linear.gather [hbm4b:s8+s2], $0x80, $0x38;
	[tilespmem:$0x1C200] =	vst v63  }
0xaa: {  	s9 =	rddreg [dreg:$0x11]  }
0xab: {  	[tilespmem:s31], [sflag:$0x3] =	stream.linear.gather [hbm4b:s9+s2], $0x80, $0x38;
	[tilespmem:$0x1C200] =	vst v63  }
0xac: {  	_ =	swait.ge [sflag:s19], $0x80  }
0xad: {  	[sflag:s19] =	ssyncset.done $0x0  }
0xae: {  	[sflag:s19] =	ssyncadd.s32 $0xFFFFFF80  }
0xaf: {  	_ =	swait.ge [sflag:s19], $0x80  }
0xb0: {  	[sflag:s19] =	ssyncset.done $0x0  }
0xb1: {  	[sflag:s19] =	ssyncadd.s32 $0xFFFFFF80  }
0xb2: {  	[tilespmem:s29], [sflag:$0x1] =	stream.indirect.gather [hbm4b:s4+s0], $0x80, s2, s0, $0xb8;
	[tilespmem:$0x1C200] =	vst v63  }
0xb3: {  	_ = 	snop  }
0xb4: {  	[tilespmem:s3], [sflag:$0x1] =	stream.indirect.gather [hbm4b:s4+s0], $0x80, s0, s0, $0xb8;
	[tilespmem:$0x1C200] =	vst v63  }
0xb5: {  	_ =	swait.ge [sflag:s20], $0x4000  }
0xb6: {  	[sflag:s20] =	ssyncset.done $0x0  }
0xb7: {  	[sflag:s20] =	ssyncadd.s32 $0xFFFFC000  }
0xb8: {  	[spmem:s1] =	stream.indirect.scatter.add.f32 [tilespmem:s15], [sflag:$0x5], $0x80, s13, s31, $0xb8;
	[tilespmem:$0x1C200] =	vst v63  }
0xb9: {  	_ =	swait.ge [sflag:s30], $0x4000  }
0xba: {  	[sflag:s30] =	ssyncset.done $0x0  }
0xbb: {  	[sflag:s30] =	ssyncadd.s32 $0xFFFFC000  }
0xbc: {  	_ =	swait.ge [sflag:s18], $0x4000  }
0xbd: {  	[sflag:s18] =	ssyncset.done $0x0  }
0xbe: {  	[sflag:s18] =	ssyncadd.s32 $0xFFFFC000  }
0xbf: {  	[spmem:s1] =	stream.indirect.scatter.add.f32 [tilespmem:s29], [sflag:$0x5], $0x80, s31, s31, $0xb8;
	[tilespmem:$0x1C200] =	vst v63  }
0xc0: {  	_ =	swait.ge [sflag:s30], $0x4000  }
0xc1: {  	[sflag:s30] =	ssyncset.done $0x0  }
0xc2: {  	[sflag:s30] =	ssyncadd.s32 $0xFFFFC000  }
0xc3: {  	[bflag:$0x0] =	sbarrier.arrive $0xFFFF  }
0xc4: {  	[tilespmem:s29], [sflag:$0x5] =	stream.linear.gather [spmem:s10], $0x4000, $0x38;
	[tilespmem:$0x1C200] =	vst v63  }
0xc5: {  	_ =	swait.ge [sflag:s30], $0x4000  }
0xc6: {  	[sflag:s30] =	ssyncset.done $0x0  }
0xc7: {  	s22 =	smov.u32 s10;
	s10 =	rddreg [dreg:$0x8];
	[sflag:s30] =	ssyncadd.s32 $0xFFFFC000  }
0xc8: {  	[hbm4b:s10+s2] =	stream.linear.scatter [tilespmem:s29], [sflag:$0x5], $0x4000, $0x38;
	[tilespmem:$0x1C200] =	vst v63  }
0xc9: {  	_ =	swait.ge [sflag:s30], $0x4000  }
0xca: {  	[sflag:s30] =	ssyncset.done $0x0  }
0xcb: {  	[sflag:s30] =	ssyncadd.s32 $0xFFFFC000  }
0xcc: {  	[tilespmem:s29], [sflag:$0x5] =	stream.linear.gather [spmem:s11], $0x4000, $0x38;
	[tilespmem:$0x1C200] =	vst v63  }
0xcd: {  	_ =	swait.ge [sflag:s30], $0x4000  }
0xce: {  	[sflag:s30] =	ssyncset.done $0x0  }
0xcf: {  	s23 =	rddreg [dreg:$0x9];
	[sflag:s30] =	ssyncadd.s32 $0xFFFFC000  }
0xd0: {  	[hbm4b:s23+s2] =	stream.linear.scatter [tilespmem:s29], [sflag:$0x5], $0x4000, $0x38;
	[tilespmem:$0x1C200] =	vst v63  }
0xd1: {  	_ =	swait.ge [sflag:s30], $0x4000  }
0xd2: {  	[sflag:s30] =	ssyncset.done $0x0  }
0xd3: {  	[sflag:s30] =	ssyncadd.s32 $0xFFFFC000  }
0xd4: {  	[tilespmem:s29], [sflag:$0x5] =	stream.linear.gather [spmem:s12], $0x4000, $0x38;
	[tilespmem:$0x1C200] =	vst v63  }
0xd5: {  	_ =	swait.ge [sflag:s30], $0x4000  }
0xd6: {  	[sflag:s30] =	ssyncset.done $0x0  }
0xd7: {  	s24 =	rddreg [dreg:$0xa];
	[sflag:s30] =	ssyncadd.s32 $0xFFFFC000  }
0xd8: {  	[hbm4b:s24+s2] =	stream.linear.scatter [tilespmem:s29], [sflag:$0x5], $0x4000, $0x38;
	[tilespmem:$0x1C200] =	vst v63  }
0xd9: {  	_ =	swait.ge [sflag:s30], $0x4000  }
0xda: {  	[sflag:s30] =	ssyncset.done $0x0  }
0xdb: {  	s24 =	rddreg [dreg:$0x5];
	[sflag:s30] =	ssyncadd.s32 $0xFFFFC000  }
0xdc: {  	[tilespmem:s29], [sflag:$0x5] =	stream.linear.gather [spmem:s24], $0x4000, $0x38;
	[tilespmem:$0x1C200] =	vst v63  }
0xdd: {  	_ =	swait.ge [sflag:s30], $0x4000  }
0xde: {  	[sflag:s30] =	ssyncset.done $0x0  }
0xdf: {  	s10 =	rddreg [dreg:$0xb];
	[sflag:s30] =	ssyncadd.s32 $0xFFFFC000  }
0xe0: {  	[hbm4b:s10+s2] =	stream.linear.scatter [tilespmem:s29], [sflag:$0x5], $0x4000, $0x38;
	[tilespmem:$0x1C200] =	vst v63  }
0xe1: {  	_ =	swait.ge [sflag:s30], $0x4000  }
0xe2: {  	[sflag:s30] =	ssyncset.done $0x0  }
0xe3: {  	s28 =	rddreg [dreg:$0x4];
	[sflag:s30] =	ssyncadd.s32 $0xFFFFC000  }
0xe4: {  	[tilespmem:s29], [sflag:$0x5] =	stream.linear.gather [spmem:s28], $0x4000, $0x38;
	[tilespmem:$0x1C200] =	vst v63  }
0xe5: {  	_ =	swait.ge [sflag:s30], $0x4000  }
0xe6: {  	[sflag:s30] =	ssyncset.done $0x0  }
0xe7: {  	s9 =	smov.u32 s11;
	s11 =	rddreg [dreg:$0xc];
	[sflag:s30] =	ssyncadd.s32 $0xFFFFC000  }
0xe8: {  	[hbm4b:s11+s2] =	stream.linear.scatter [tilespmem:s29], [sflag:$0x5], $0x4000, $0x38;
	[tilespmem:$0x1C200] =	vst v63  }
0xe9: {  	_ =	swait.ge [sflag:s30], $0x4000  }
0xea: {  	s21 =	sadd.s32 $0x1, s21;
	s23 =	smov.u32 s12;
	s12 =	rddreg [dreg:$0xf]  }
0xeb: {  	p0 =	sne.s32 s21, s12  }
.Ltmp1:
0xec: {  	_ = 	snop;
	(pc) =	sbr.rel @p0 .LBB2_1-.Ltmp1, $3  }
0xed: {  	_ =	sdelay $0x1  }
0xee: {  	[sflag:s30] =	ssyncset.done $0x0  }
0xef: {  	[sflag:s30] =	ssyncadd.s32 $0xFFFFC000  }
0xf0: {  	_ =	sfence.sel $0x180000  }
0xf1: {  	[bflag:$0x0] =	sbarrier.arrive $0xFFFF  }
0xf2: {  	_ =	strace $0x9000004A  }
0xf3: {  	s0 =	stileid.u32;
	[bflag:$0x2] =	sbarrier.arrive $0xFFFF  }
0xf4: {  	p0 =	sne.s32 s0, $0x0;
	s0 =	rddreg [dreg:$0x2]  }
0xf5: {  	s0 =	sadd.s32 @!p0 $0x100000, s0  }
0xf6: {  	[sflag:s0] =	ssyncadd.tile.s32 @!p0 $0x1;
	_ =	shalt  }
.Lfunc_end2:
_tile_overlayer_lowered:
.L_overlay_start_2:
0xf7: {  	(tag) =	ssettag $0x2  }
0xf8: {  	s0 =	rddreg [dreg:$0x0];
	s2 =	stileid.u32  }
0xf9: {  	s1 =	rddreg [dreg:$0x1];
	p0 =	sne.s32 s2, $0x0  }
0xfa: {  	s3 =	rddreg [dreg:$0x2];
	[bflag:$0x3] =	sbarrier.arrive $0xFFFF;
	s2 =	simm.s32 @!p0 $0x1C05  }
0xfb: {  	[timem:s3], [sflag:s2] =	dma.local @!p0 [hbm:s0], s1  }
0xfc: {  	s0 =	simm.s32 @!p0 $0x5  }
0xfd: {  	_ =	swait.ge @!p0 [sflag:s0], s1  }
0xfe: {  	s1 =	ssub.s32 @!p0 $0x0, s1;
	[sflag:s0] =	ssyncset.done @!p0 $0x0  }
0xff: {  	[sflag:s0] =	ssyncadd.s32 @!p0 s1  }
0x100: {  	[bflag:$0x3] =	sbarrier.arrive $0xFFFF  }
0x101: {  	_ =	shalt  }

// kernel: kernel.7.cloned.1.call-start
scs
__scs_entry_jumppad:
0x0: {  	(pc) =	sbr.rel $0x88, $3  }
0x1: {  	(tag) =	ssettag $0x0;
	lr =	simm.s32 $0x1  }
0x2: {  	[smem:$0x3F99] =	sst lr;
	_ =	strace $0xD0000000  }
0x3: {  	_ = 	snop  }
0x4: {  	_ = 	snop  }
0x5: {  	_ = 	snop  }
0x6: {  	_ = 	snop  }
0x7: {  	_ = 	snop  }
__scs_overlays_trampoline_lowered:
0x8: {  	[smem:$0x3FA8] =	sst s0  }
0x9: {  	[smem:$0x3FA9] =	sst s1  }
0xa: {  	[smem:$0x3FAA] =	sst s2  }
0xb: {  	[smem:$0x3FAB] =	sst s3  }
0xc: {  	[smem:$0x3FAC] =	sst s4  }
0xd: {  	[smem:$0x3FAD] =	sst s5  }
0xe: {  	[smem:$0x3FAE] =	sst s6  }
0xf: {  	[smem:$0x3FAF] =	sst s7  }
0x10: {  	[smem:$0x3FB0] =	sst s8  }
0x11: {  	[smem:$0x3FB1] =	sst s9;
	s0 =	simm.s32 @!p0 $0x0  }
0x12: {  	s1 =	sld [smem:$0x3F97];
	s0 =	simm.s32 @p0 $0x1  }
0x13: {  	[smem:$0x3FB2] =	sst s0;
	s0 =	simm.s32 @!p1 $0x0  }
0x14: {  	s2 =	sld [smem:$0x3F96];
	s0 =	simm.s32 @p1 $0x1  }
0x15: {  	[smem:$0x3FB3] =	sst s0;
	s0 =	simm.s32 @!p2 $0x0  }
0x16: {  	s3 =	sld [smem:$0x3FDB];
	s0 =	simm.s32 @p2 $0x1  }
0x17: {  	s4 =	simm.s32 $0x1BF5;
	[smem:$0x3FB5] =	sst s0  }
0x18: {  	s0 =	sld [smem:$0x3F98];
	_ =	swait.ge [sflag:s4], $0x0  }
0x19: {  	s7 =	sld [smem:$0x3F99]  }
0x1a: {  	s8 =	sadd.s32 $0xFFFFE003, lr  }
0x1b: {  	s9 =	sadd.s32 $0xFFFFFEF7, lr;
	s5 =	simm.s32 $0xFFFFFFFF;
	p2 =	slt.u32 s8, $0xFFFFF086  }
0x1c: {  	p1 =	slt.u32 s9, $0xF7A;
	s5 =	simm.s32 @!p2 $0x0  }
0x1d: {  	s5 =	simm.s32 @p1 $0x1;
	p0 =	seq.s32 s7, s2  }
0x1e: {  	s7 =	smul.u32 @!p0 $0xF7A, s2;
	p2 =	seq.s32 @!p0 s5, $0x0  }
0x1f: {  	s9 =	smul.u32 $0xF7A, s1;
	s8 =	simm.s32 @!p0 $0x1BF5;
	p2 =	por !p2, p0  }
0x20: {  	[sflag:s8] =	ssyncset.s32 @!p0 $0xFFFFF086;
	s6 =	sadd.s32 @!p0 s3, s7;
	s7 =	simm.s32 @!p0 $0x108  }
0x21: {  	s3 =	sadd.s32 s3, s9;
	s6 =	sadd.s32 @!p0 $0x88, s6;
	s7 =	simm.s32 @p2 $0x1082  }
0x22: {  	[simem:s7], [sflag:s8] =	dma.local @!p0 [hbm:s6], $0xF7A  }
0x23: {  	s9 =	sor.u32 $0xD0000000, s2;
	s6 =	simm.s32 $0x108;
	_ =	swait.ge @!p0 [sflag:s8], $0x0  }
0x24: {  	s3 =	sadd.s32 $0x88, s3;
	s6 =	simm.s32 @!p1 $0x1082;
	[sflag:s4] =	ssyncset.s32 $0xFFFFF086  }
0x25: {  	[simem:s6], [sflag:s4] =	dma.local [hbm:s3], $0xF7A  }
0x26: {  	[smem:$0x3F99] =	sst s1;
	(tag) =	ssettag s2;
	_ =	strace s9  }
0x27: {  	s1 =	sld [smem:$0x3FA9]  }
0x28: {  	s2 =	sld [smem:$0x3FAA]  }
0x29: {  	s4 =	sld [smem:$0x3FAC]  }
0x2a: {  	p0 =	seq.s32 s5, $0x0;
	s5 =	sld [smem:$0x3FAD]  }
0x2b: {  	s6 =	sld [smem:$0x3FAE]  }
0x2c: {  	s7 =	sld [smem:$0x3FAF]  }
0x2d: {  	s3 =	simm.s32 $0x108;
	s8 =	sld [smem:$0x3FB0]  }
0x2e: {  	s3 =	simm.s32 @!p0 $0x1082;
	s9 =	sld [smem:$0x3FB1]  }
0x2f: {  	lr =	sadd.s32 s0, s3;
	s0 =	sld [smem:$0x3FA8]  }
0x30: {  	s3 =	sld [smem:$0x3FAB]  }
0x31: {  	[smem:$0x3FB4] =	sst s10  }
0x32: {  	s10 =	sld [smem:$0x3FB2];
	_ =	sdelay $0x3  }
0x33: {  	p0 =	seq.s32 s10, $0x1;
	s10 =	sld [smem:$0x3FB4];
	_ =	sdelay $0x3  }
0x34: {  	[smem:$0x3FB4] =	sst s10  }
0x35: {  	s10 =	sld [smem:$0x3FB3];
	_ =	sdelay $0x3  }
0x36: {  	p1 =	seq.s32 s10, $0x1;
	s10 =	sld [smem:$0x3FB4];
	_ =	sdelay $0x3  }
0x37: {  	[smem:$0x3FB4] =	sst s10  }
0x38: {  	s10 =	sld [smem:$0x3FB5]  }
0x39: {  	_ = 	snop;
	(pc) =	sbr.ind lr, $3  }
0x3a: {  	_ = 	snop  }
0x3b: {  	_ = 	snop  }
0x3c: {  	p2 =	seq.s32 s10, $0x1;
	s10 =	sld [smem:$0x3FB4]  }
0x3d: {  	_ =	shalt  }
0x3e: {  	_ =	shalt  }
0x3f: {  	_ =	shalt  }
0x40: {  	_ =	shalt  }
0x41: {  	_ =	shalt  }
0x42: {  	_ =	shalt  }
0x43: {  	_ =	shalt  }
0x44: {  	_ =	shalt  }
0x45: {  	_ =	shalt  }
0x46: {  	_ =	shalt  }
0x47: {  	_ =	shalt  }
0x48: {  	_ =	shalt  }
0x49: {  	_ =	shalt  }
0x4a: {  	_ =	shalt  }
0x4b: {  	_ =	shalt  }
0x4c: {  	_ =	shalt  }
0x4d: {  	_ =	shalt  }
0x4e: {  	_ =	shalt  }
0x4f: {  	_ =	shalt  }
0x50: {  	_ =	shalt  }
0x51: {  	_ =	shalt  }
0x52: {  	_ =	shalt  }
0x53: {  	_ =	shalt  }
0x54: {  	_ =	shalt  }
0x55: {  	_ =	shalt  }
0x56: {  	_ =	shalt  }
0x57: {  	_ =	shalt  }
0x58: {  	_ =	shalt  }
0x59: {  	_ =	shalt  }
0x5a: {  	_ =	shalt  }
0x5b: {  	_ =	shalt  }
0x5c: {  	_ =	shalt  }
0x5d: {  	_ =	shalt  }
0x5e: {  	_ =	shalt  }
0x5f: {  	_ =	shalt  }
0x60: {  	_ =	shalt  }
0x61: {  	_ =	shalt  }
0x62: {  	_ =	shalt  }
0x63: {  	_ =	shalt  }
0x64: {  	_ =	shalt  }
0x65: {  	_ =	shalt  }
0x66: {  	_ =	shalt  }
0x67: {  	_ =	shalt  }
0x68: {  	_ =	shalt  }
0x69: {  	_ =	shalt  }
0x6a: {  	_ =	shalt  }
0x6b: {  	_ =	shalt  }
0x6c: {  	_ =	shalt  }
0x6d: {  	_ =	shalt  }
0x6e: {  	_ =	shalt  }
0x6f: {  	_ =	shalt  }
0x70: {  	_ =	shalt  }
0x71: {  	_ =	shalt  }
0x72: {  	_ =	shalt  }
0x73: {  	_ =	shalt  }
0x74: {  	_ =	shalt  }
0x75: {  	_ =	shalt  }
0x76: {  	_ =	shalt  }
0x77: {  	_ =	shalt  }
0x78: {  	_ =	shalt  }
0x79: {  	_ =	shalt  }
0x7a: {  	_ =	shalt  }
0x7b: {  	_ =	shalt  }
0x7c: {  	_ =	shalt  }
0x7d: {  	_ =	shalt  }
0x7e: {  	_ =	shalt  }
0x7f: {  	_ =	shalt  }
0x80: {  	_ =	shalt  }
0x81: {  	_ =	shalt  }
0x82: {  	_ =	shalt  }
0x83: {  	_ =	shalt  }
0x84: {  	_ =	shalt  }
0x85: {  	_ =	shalt  }
0x86: {  	_ =	shalt  }
0x87: {  	_ =	shalt  }
.Lfunc_end0:
.L_simem_size_0:
called_computation_lowered:
.L_overlay_start_0:
0x88: {  	s2 =	sld [smem:$0x3FD9]  }
0x89: {  	s3 =	sld [smem:$0x3FFE];
	_ =	sdelay $0x1  }
0x8a: {  	s1 =	srdreg.scid  }
0x8b: {  	s0 =	sand.u32 $0x1, s1  }
0x8c: {  	s17 =	sshll.u32 s0, $0xA;
	s2 =	sadd.s32 s3, s2  }
0x8d: {  	s2 =	sadd.s32 s2, s17  }
0x8e: {  	[smem:$0x3FC0] =	sst s2  }
0x8f: {  	_ = 	snop  }
0x90: {  	s2 =	sld [smem:$0x3FD0];
	(tm) =	ssettm $0x1  }
0x91: {  	s18 =	sld [smem:$0x3FFB];
	_ =	sdelay $0x3  }
0x92: {  	_ =	strace s18  }
0x93: {  	s3 =	sld [smem:$0x3FFC];
	_ =	sdelay $0x3  }
0x94: {  	_ =	strace s3  }
0x95: {  	s3 =	sld [smem:$0x3FFD];
	_ =	sdelay $0x3  }
0x96: {  	_ =	strace s3  }
0x97: {  	_ =	strace $0x8FFFFFFF  }
0x98: {  	s19 =	sld [smem:$0x3FDB];
	_ =	sdelay $0x1  }
0x99: {  	s4 =	simm.s32 $_scs_section_size  }
0x9a: {  	s5 =	simm.s32 $_size__tile_overlayer_lowered;
	s6 =	simm.s32 $_tile_overlayer_lowered  }
0x9b: {  	s22 =	simm.s32 $0x1BFF;
	s21 =	sshll.u32 s6, $0x1;
	s3 =	sadd.s32 s4, s19  }
0x9c: {  	s7 =	simm.s32 $0x0;
	s20 =	sshll.u32 s5, $0x1;
	s5 =	sadd.s32 s21, s3  }
0x9d: {  	[timem:s7], [sflag:s22] =	dma.local [hbm:s5], s20  }
0x9e: {  	_ =	swait.ge [sflag:s22], s20  }
0x9f: {  	s4 =	ssub.s32 $0x0, s20;
	[sflag:s22] =	ssyncset.done $0x0  }
0xa0: {  	[sflag:s22] =	ssyncadd.s32 s4;
	_ =	sdelay $0x1  }
0xa1: {  	s23 =	simm.s32 $0x1B8B  }
0xa2: {  	_ =	swait.ge [sflag:s23], $0x1  }
0xa3: {  	[sflag:s23] =	ssyncset.done $0x0  }
0xa4: {  	s25 =	simm.s32 $0x1B8E;
	s24 =	sld [smem:$0x3FFE];
	[sflag:s23] =	ssyncadd.s32 $0xFFFFFFFF  }
0xa5: {  	s26 =	simm.s32 $execute0_lowered;
	[smem:$0x3FD2] =	sst s25  }
0xa6: {  	s5 =	sshll.u32 s26, $0x1;
	_ =	strace $0x80000046;
	[dreg:$0x1] =	wrdreg $0xFFFFFFFF  }
0xa7: {  	s28 =	simm.s32 $_size_execute0_lowered;
	s3 =	sadd.s32 s3, s5;
	[dreg:$0x0] =	wrdreg $0x0  }
0xa8: {  	s5 =	sshll.u32 s28, $0x1;
	[dreg:$0x2] =	wrdreg s3  }
0xa9: {  	[dreg:$0x3] =	wrdreg s5  }
0xaa: {  	[dreg:$0x4] =	wrdreg $0xC0  }
0xab: {  	_ =	task [dreg:s7], $0x5FFFF  }
0xac: {  	[dreg:$0x1] =	wrdreg $0xFFFFFFFF  }
0xad: {  	[dreg:$0x0] =	wrdreg $0x60  }
0xae: {  	[dreg:$0x2] =	wrdreg s24  }
0xaf: {  	[dreg:$0x3] =	wrdreg s2  }
0xb0: {  	[dreg:$0x4] =	wrdreg $0xAA000  }
0xb1: {  	[dreg:$0x5] =	wrdreg $0x9  }
0xb2: {  	_ =	task.clear_ibuf [dreg:s7], $0x6FFFF;
	_ =	strace $0x90000046  }
0xb3: {  	s29 =	simm.s32 $0x9;
	_ =	strace $0x80000048  }
0xb4: {  	_ =	swait.ge [sflag:s29], $0x1  }
0xb5: {  	[sflag:s29] =	ssyncadd.s32 $0xFFFFFFFF  }
0xb6: {  	_ =	strace $0x90000048  }
0xb7: {  	_ =	sfence  }
0xb8: {  	s30 =	sld [smem:$0x0];
	_ =	sdelay $0x2  }
0xb9: {  	s31 =	sshll.u32 s1, $0xD;
	s1 =	sshrl.u32 s1, $0x2  }
0xba: {  	s3 =	sand.u32 $0x4000, s31;
	s1 =	sadd.s32 s1, s30  }
0xbb: {  	s0 =	sor.u32 s3, s0;
	s1 =	sshll.u32 s1, $0x11  }
0xbc: {  	s0 =	sor.u32 s1, s0  }
0xbd: {  	s0 =	sadd.s32 $0x8F2B, s0  }
0xbe: {  	[sflag:s0] =	ssyncadd.remote.s32 $0x1  }
0xbf: {  	_ =	sfence.sel $0xFFFF  }
0xc0: {  	[dreg:$0x0] =	wrdreg $0xFFFFFFFF;
	(pc) =	sbr.abs _section_cstart, $3  }
0xc1: {  	[dreg:$0x1] =	wrdreg $0xFFFFFFFF  }
0xc2: {  	_ =	task.clear_ibuf [dreg:s7], $0x2FFFF;
	_ =	strace $0x9FFFFFFF  }
0xc3: {  	(tm) =	ssettm $0x7FFFFFFF  }
tec
execute0_lowered:
.L_overlay_start_1:
0x0: {  	(tag) =	ssettag $0x1  }
0x1: {  	s3 =	rddreg [dreg:$0x0]  }
0x2: {  	s0 =	rddreg [dreg:$0x1]  }
0x3: {  	s1 =	rddreg [dreg:$0x2];
	s2 =	simm.s32 $0x0  }
0x4: {  	s7 =	srdreg.scid;
	s21 =	stileid.u32;
	s29 =	simm.s32 $0x200  }
0x5: {  	s30 =	simm.s32 $0x5;
	s31 =	simm.s32 $0x8200;
	[smem:$0x7FF] =	sst s2  }
0x6: {  	s4 =	sadd.s32 $0x16A00, s3;
	s5 =	sadd.s32 $0xCC00, s3;
	s6 =	sadd.s32 $0x2E00, s3  }
0x7: {  	s7 =	sand.u32 $0x1, s7;
	s8 =	sadd.s32 $0x3EA00, s3;
	s9 =	smul.u32 $0x50000, s21  }
0x8: {  	s10 =	sadd.s32 $0x3F200, s3;
	s13 =	smul.u32 $0x14000, s21;
	s3 =	sadd.s32 $0x3F800, s3  }
0x9: {  	_ =	strace $0x80000047;
	[dreg:$0x4] =	wrdreg s8;
	s15 =	smul.u32 $0x140000, s7  }
0xa: {  	s17 =	ssub.s32 $0x2, s7;
	[dreg:$0x5] =	wrdreg s10;
	s12 =	smul.u32 $0x28000, s7  }
0xb: {  	s11 =	sshll.u32 s7, $0x4;
	s7 =	smul.u32 $0x27800, s7;
	s18 =	sshrl.u32 s17, $0x1  }
0xc: {  	s9 =	sshrl.u32 s9, $0x2;
	s14 =	sadd.s32 $0x4000, s13;
	s11 =	sor.u32 s21, s11  }
0xd: {  	s16 =	sadd.s32 $0x8000, s13;
	s8 =	ssub.s32 s17, s18;
	s23 =	sadd.s32 s9, s1  }
0xe: {  	s24 =	sadd.s32 s14, s1;
	s17 =	sadd.s32 $0xC000, s13;
	s18 =	smul.u32 $0x2780, s11  }
0xf: {  	s28 =	sadd.s32 s16, s1;
	s19 =	sadd.s32 s13, s15;
	s13 =	sadd.s32 $0x10000, s13  }
0x10: {  	s14 =	sadd.s32 s15, s14;
	s16 =	sadd.s32 s15, s16;
	s9 =	sadd.s32 s17, s1  }
0x11: {  	s19 =	sshrl.u32 s19, $0x3;
	s14 =	sshrl.u32 s14, $0x3;
	s16 =	sshrl.u32 s16, $0x3  }
0x12: {  	s17 =	sadd.s32 s15, s17;
	s15 =	sadd.s32 s15, s13;
	[dreg:$0xc] =	wrdreg s28  }
0x13: {  	s20 =	sshrl.u32 s18, $0x3;
	s22 =	sadd.s32 s3, s19;
	[dreg:$0x6] =	wrdreg s9  }
0x14: {  	s25 =	sadd.s32 s3, s14;
	s26 =	sadd.s32 s3, s16;
	[dreg:$0x7] =	wrdreg s22  }
0x15: {  	s11 =	sshrl.u32 s17, $0x3;
	s18 =	sshrl.u32 s21, $0x3;
	[dreg:$0x8] =	wrdreg s25  }
0x16: {  	[dreg:$0x9] =	wrdreg s26;
	s19 =	sadd.s32 s3, s11;
	s25 =	smul.u32 $0x14000, s18  }
0x17: {  	s22 =	sshrl.u32 s15, $0x3;
	s26 =	sshll.u32 s21, $0x7;
	s11 =	smul.u32 $0x2780, s21  }
0x18: {  	s14 =	sadd.s32 s5, s20;
	s16 =	sadd.s32 s6, s20;
	s17 =	sadd.s32 $0x10, s20  }
0x19: {  	s21 =	smax.u32 s8, $0x1;
	s8 =	simm.s32 $0x100;
	[dreg:$0xa] =	wrdreg s19  }
0x1a: {  	s15 =	simm.s32 $0x4200;
	s3 =	sadd.s32 s3, s22;
	[dreg:$0xd] =	wrdreg s14  }
0x1b: {  	[dreg:$0xe] =	wrdreg s16;
	s19 =	sadd.s32 s5, s17;
	s20 =	sadd.s32 s6, s17  }
0x1c: {  	[dreg:$0x12] =	wrdreg s21;
	s14 =	simm.s32 $0x4;
	s16 =	simm.s32 $0x140  }
0x1d: {  	s17 =	simm.s32 $0x6200;
	s21 =	simm.s32 $0x2;
	[dreg:$0xb] =	wrdreg s3  }
0x1e: {  	s10 =	sadd.s32 s12, s25;
	s3 =	sand.u32 $0x380, s26;
	[dreg:$0x10] =	wrdreg s19  }
0x1f: {  	s12 =	sadd.s32 s13, s1;
	s7 =	sadd.s32 s11, s7;
	[dreg:$0x11] =	wrdreg s20  }
0x20: {  	s13 =	simm.s32 $0x180;
	s19 =	simm.s32 $0x1;
	s20 =	simm.s32 $0x3  }
.Ltmp0:
0x21: {  	s3 =	sor.u32 s3, s10;
	s18 =	sadd.s32 $0x180, s7;
	(pc) =	sbr.rel .LBB2_1-.Ltmp0, $4  }
0x22: {  	s22 =	sadd.s32 $0x100, s7;
	s7 =	simm.s32 $0x2200;
	s3 =	sshrl.u32 s3, $0x3  }
0x23: {  	[dreg:$0x13] =	wrdreg s22;
	s22 =	simm.s32 $0x0;
	s0 =	sadd.s32 s0, s3  }
0x24: {  	s3 =	simm.s32 $0x40;
	[dreg:$0xf] =	wrdreg s0;
	s0 =	sshrl.u32 s18, $0x3  }
0x25: {  	v0 =	vimm.f32 $1.000000000e+00;
	s25 =	sadd.s32 s0, s6;
	s26 =	sadd.s32 s0, s5;
	s0 =	simm.s32 $0x80  }
.LBB2_4:
0x26: {  	_ =	swait.ge [sflag:s19], $0x4000  }
0x27: {  	[sflag:s19] =	ssyncset.done $0x0  }
0x28: {  	[sflag:s19] =	ssyncadd.s32 $0xFFFFC000  }
0x29: {  	[spmem:s1] =	stream.indirect.scatter.add.f32 [tilespmem:s29], [sflag:$0x5], $0x80, s0, s0, $0xb8;
	[tilespmem:$0x1EA00] =	vst v63  }
0x2a: {  	_ =	swait.ge [sflag:s30], $0x4000  }
0x2b: {  	[sflag:s30] =	ssyncset.done $0x0  }
0x2c: {  	[sflag:s30] =	ssyncadd.s32 $0xFFFFC000  }
0x2d: {  	v1 =	vld [tilespmem:$0x80];
	_ =	sdelay $0x7  }
0x2e: {  	[tilespmem:v1+s31+$0x0] =	vst.idx.add.f32.msk $0xffff, v0  }
0x2f: {  	v1 =	vld [tilespmem:$0x90];
	_ =	sdelay $0x7  }
0x30: {  	[tilespmem:v1+s31+$0x0] =	vst.idx.add.f32.msk $0xffff, v0  }
0x31: {  	v1 =	vld [tilespmem:$0xA0];
	_ =	sdelay $0x7  }
0x32: {  	[tilespmem:v1+s31+$0x0] =	vst.idx.add.f32.msk $0xffff, v0  }
0x33: {  	v1 =	vld [tilespmem:$0xB0];
	_ =	sdelay $0x7  }
0x34: {  	[tilespmem:v1+s31+$0x0] =	vst.idx.add.f32.msk $0xffff, v0  }
0x35: {  	v1 =	vld [tilespmem:$0xC0];
	_ =	sdelay $0x7  }
0x36: {  	[tilespmem:v1+s31+$0x0] =	vst.idx.add.f32.msk $0xffff, v0  }
0x37: {  	v1 =	vld [tilespmem:$0xD0];
	_ =	sdelay $0x7  }
0x38: {  	[tilespmem:v1+s31+$0x0] =	vst.idx.add.f32.msk $0xffff, v0  }
0x39: {  	v1 =	vld [tilespmem:$0xE0];
	_ =	sdelay $0x7  }
0x3a: {  	[tilespmem:v1+s31+$0x0] =	vst.idx.add.f32.msk $0xffff, v0  }
0x3b: {  	v1 =	vld [tilespmem:$0xF0];
	_ =	sdelay $0x7  }
0x3c: {  	[tilespmem:v1+s31+$0x0] =	vst.idx.add.f32.msk $0xffff, v0  }
0x3d: {  	[bflag:$0x0] =	sbarrier.arrive $0xFFFF  }
0x3e: {  	[tilespmem:s29], [sflag:$0x5] =	stream.linear.gather [spmem:s10], $0x4000, $0x38;
	[tilespmem:$0x1EA00] =	vst v63  }
0x3f: {  	_ =	swait.ge [sflag:s30], $0x4000  }
0x40: {  	[sflag:s30] =	ssyncset.done $0x0  }
0x41: {  	s9 =	rddreg [dreg:$0x7];
	[sflag:s30] =	ssyncadd.s32 $0xFFFFC000  }
0x42: {  	[hbm4b:s9+s2] =	stream.linear.scatter [tilespmem:s29], [sflag:$0x5], $0x4000, $0x38;
	[tilespmem:$0x1EA00] =	vst v63  }
0x43: {  	_ =	swait.ge [sflag:s30], $0x4000  }
0x44: {  	[sflag:s30] =	ssyncset.done $0x0  }
0x45: {  	[sflag:s30] =	ssyncadd.s32 $0xFFFFC000  }
0x46: {  	[tilespmem:s29], [sflag:$0x5] =	stream.linear.gather [spmem:s11], $0x4000, $0x38;
	[tilespmem:$0x1EA00] =	vst v63  }
0x47: {  	_ =	swait.ge [sflag:s30], $0x4000  }
0x48: {  	[sflag:s30] =	ssyncset.done $0x0  }
0x49: {  	s18 =	rddreg [dreg:$0x8];
	[sflag:s30] =	ssyncadd.s32 $0xFFFFC000  }
0x4a: {  	[hbm4b:s18+s2] =	stream.linear.scatter [tilespmem:s29], [sflag:$0x5], $0x4000, $0x38;
	[tilespmem:$0x1EA00] =	vst v63  }
0x4b: {  	_ =	swait.ge [sflag:s30], $0x4000  }
0x4c: {  	[sflag:s30] =	ssyncset.done $0x0  }
0x4d: {  	s28 =	rddreg [dreg:$0xc];
	[sflag:s30] =	ssyncadd.s32 $0xFFFFC000  }
0x4e: {  	[tilespmem:s29], [sflag:$0x5] =	stream.linear.gather [spmem:s28], $0x4000, $0x38;
	[tilespmem:$0x1EA00] =	vst v63  }
0x4f: {  	_ =	swait.ge [sflag:s30], $0x4000  }
0x50: {  	[sflag:s30] =	ssyncset.done $0x0  }
0x51: {  	s23 =	smov.u32 s10;
	s10 =	rddreg [dreg:$0x9];
	[sflag:s30] =	ssyncadd.s32 $0xFFFFC000  }
0x52: {  	[hbm4b:s10+s2] =	stream.linear.scatter [tilespmem:s29], [sflag:$0x5], $0x4000, $0x38;
	[tilespmem:$0x1EA00] =	vst v63  }
0x53: {  	_ =	swait.ge [sflag:s30], $0x4000  }
0x54: {  	[sflag:s30] =	ssyncset.done $0x0  }
0x55: {  	s9 =	rddreg [dreg:$0x6];
	[sflag:s30] =	ssyncadd.s32 $0xFFFFC000  }
0x56: {  	[tilespmem:s29], [sflag:$0x5] =	stream.linear.gather [spmem:s9], $0x4000, $0x38;
	[tilespmem:$0x1EA00] =	vst v63  }
0x57: {  	_ =	swait.ge [sflag:s30], $0x4000  }
0x58: {  	[sflag:s30] =	ssyncset.done $0x0  }
0x59: {  	s24 =	smov.u32 s11;
	s11 =	rddreg [dreg:$0xa];
	[sflag:s30] =	ssyncadd.s32 $0xFFFFC000  }
0x5a: {  	[hbm4b:s11+s2] =	stream.linear.scatter [tilespmem:s29], [sflag:$0x5], $0x4000, $0x38;
	[tilespmem:$0x1EA00] =	vst v63  }
0x5b: {  	_ =	swait.ge [sflag:s30], $0x4000  }
0x5c: {  	[sflag:s30] =	ssyncset.done $0x0  }
0x5d: {  	[sflag:s30] =	ssyncadd.s32 $0xFFFFC000  }
0x5e: {  	[tilespmem:s29], [sflag:$0x5] =	stream.linear.gather [spmem:s12], $0x4000, $0x38;
	[tilespmem:$0x1EA00] =	vst v63  }
0x5f: {  	_ =	swait.ge [sflag:s30], $0x4000  }
0x60: {  	[sflag:s30] =	ssyncset.done $0x0  }
0x61: {  	s18 =	rddreg [dreg:$0xb];
	[sflag:s30] =	ssyncadd.s32 $0xFFFFC000  }
0x62: {  	[hbm4b:s18+s2] =	stream.linear.scatter [tilespmem:s29], [sflag:$0x5], $0x4000, $0x38;
	[tilespmem:$0x1EA00] =	vst v63  }
0x63: {  	_ =	swait.ge [sflag:s30], $0x4000  }
0x64: {  	[sflag:s30] =	ssyncset.done $0x0  }
0x65: {  	s18 =	simm.s32 $0x400;
	s11 =	rddreg [dreg:$0xf];
	[sflag:s30] =	ssyncadd.s32 $0xFFFFC000  }
0x66: {  	[hbm4b:s11+s0] =	stream.strided.scatter [tilespmem:s31], [sflag:$0x5], $0x2800, s18, s0, $0x38;
	[tilespmem:$0x1EA00] =	vst v63  }
0x67: {  	_ =	swait.ge [sflag:s30], $0x2800  }
0x68: {  	s22 =	sadd.s32 $0x1, s22;
	s18 =	rddreg [dreg:$0x12]  }
0x69: {  	p0 =	sne.s32 s22, s18  }
.Ltmp1:
0x6a: {  	_ = 	snop;
	(pc) =	sbr.rel @!p0 .LBB2_5-.Ltmp1, $3  }
0x6b: {  	_ =	sdelay $0x1  }
0x6c: {  	[sflag:s30] =	ssyncset.done $0x0  }
0x6d: {  	[sflag:s30] =	ssyncadd.s32 $0xFFFFD800  }
.LBB2_1:
0x6e: {  	s11 =	rddreg [dreg:$0x4]  }
0x6f: {  	[tilespmem:s29], [sflag:$0x5] =	stream.linear.gather [hbm4b:s11+s2], $0x4000, $0x38;
	[tilespmem:$0x1EA00] =	vst v63  }
0x70: {  	_ =	swait.ge [sflag:s30], $0x4000  }
0x71: {  	[sflag:s30] =	ssyncset.done $0x0  }
0x72: {  	[sflag:s30] =	ssyncadd.s32 $0xFFFFC000  }
0x73: {  	[spmem:s23] =	stream.linear.scatter [tilespmem:s29], [sflag:$0x5], $0x4000, $0x38;
	[tilespmem:$0x1EA00] =	vst v63  }
0x74: {  	_ =	swait.ge [sflag:s30], $0x4000  }
0x75: {  	[sflag:s30] =	ssyncset.done $0x0  }
0x76: {  	[sflag:s30] =	ssyncadd.s32 $0xFFFFC000  }
0x77: {  	[spmem:s24] =	stream.linear.scatter [tilespmem:s29], [sflag:$0x5], $0x4000, $0x38;
	[tilespmem:$0x1EA00] =	vst v63  }
0x78: {  	_ =	swait.ge [sflag:s30], $0x4000  }
0x79: {  	[sflag:s30] =	ssyncset.done $0x0  }
0x7a: {  	[sflag:s30] =	ssyncadd.s32 $0xFFFFC000  }
0x7b: {  	[spmem:s28] =	stream.linear.scatter [tilespmem:s29], [sflag:$0x5], $0x4000, $0x38;
	[tilespmem:$0x1EA00] =	vst v63  }
0x7c: {  	_ =	swait.ge [sflag:s30], $0x4000  }
0x7d: {  	[sflag:s30] =	ssyncset.done $0x0  }
0x7e: {  	s18 =	smov.u32 s9;
	[sflag:s30] =	ssyncadd.s32 $0xFFFFC000  }
0x7f: {  	[spmem:s18] =	stream.linear.scatter [tilespmem:s29], [sflag:$0x5], $0x4000, $0x38;
	[tilespmem:$0x1EA00] =	vst v63  }
0x80: {  	_ =	swait.ge [sflag:s30], $0x4000  }
0x81: {  	[sflag:s30] =	ssyncset.done $0x0  }
0x82: {  	[sflag:s30] =	ssyncadd.s32 $0xFFFFC000  }
0x83: {  	[spmem:s12] =	stream.linear.scatter [tilespmem:s29], [sflag:$0x5], $0x4000, $0x38;
	[tilespmem:$0x1EA00] =	vst v63  }
0x84: {  	_ =	swait.ge [sflag:s30], $0x4000  }
0x85: {  	[sflag:s30] =	ssyncset.done $0x0  }
0x86: {  	s10 =	smov.u32 s23;
	s23 =	rddreg [dreg:$0x5];
	[sflag:s30] =	ssyncadd.s32 $0xFFFFC000  }
0x87: {  	[tilespmem:s31], [sflag:$0x5] =	stream.linear.gather [hbm4b:s23+s2], $0x2800, $0x38;
	[tilespmem:$0x1EA00] =	vst v63  }
0x88: {  	_ =	swait.ge [sflag:s30], $0x2800  }
0x89: {  	[sflag:s30] =	ssyncset.done $0x0  }
0x8a: {  	[sflag:s30] =	ssyncadd.s32 $0xFFFFD800  }
0x8b: {  	[bflag:$0x0] =	sbarrier.arrive $0xFFFF  }
0x8c: {  	s11 =	smov.u32 s24;
	s24 =	rddreg [dreg:$0xd]  }
0x8d: {  	[tilespmem:s2], [sflag:$0x5] =	stream.linear.gather [hbm4b:s24+s2], $0x80, $0x38;
	[tilespmem:$0x1EA00] =	vst v63  }
0x8e: {  	_ =	swait.ge [sflag:s30], $0x80  }
0x8f: {  	[sflag:s30] =	ssyncset.done $0x0  }
0x90: {  	s18 =	rddreg [dreg:$0xe];
	[sflag:s30] =	ssyncadd.s32 $0xFFFFFF80  }
0x91: {  	[tilespmem:s0], [sflag:$0x5] =	stream.linear.gather [hbm4b:s18+s2], $0x80, $0x38;
	[tilespmem:$0x1EA00] =	vst v63  }
0x92: {  	_ =	swait.ge [sflag:s30], $0x80  }
0x93: {  	[sflag:s30] =	ssyncset.done $0x0  }
0x94: {  	[sflag:s30] =	ssyncadd.s32 $0xFFFFFF80  }
0x95: {  	[tilespmem:s29], [sflag:$0x1] =	stream.indirect.gather [hbm4b:s4+s3], $0x80, s2, s3, $0xb8;
	[tilespmem:$0x1EA00] =	vst v63  }
0x96: {  	_ = 	snop  }
0x97: {  	[tilespmem:s7], [sflag:$0x1] =	stream.indirect.gather [hbm4b:s4+s3], $0x80, s3, s3, $0xb8;
	[tilespmem:$0x1EA00] =	vst v63  }
0x98: {  	s23 =	rddreg [dreg:$0x10]  }
0x99: {  	[tilespmem:s8], [sflag:$0x4] =	stream.linear.gather [hbm4b:s23+s2], $0x80, $0x38;
	[tilespmem:$0x1EA00] =	vst v63  }
0x9a: {  	s24 =	rddreg [dreg:$0x11]  }
0x9b: {  	[tilespmem:s13], [sflag:$0x4] =	stream.linear.gather [hbm4b:s24+s2], $0x80, $0x38;
	[tilespmem:$0x1EA00] =	vst v63  }
0x9c: {  	s28 =	rddreg [dreg:$0x13];
	s24 =	simm.s32 $0x0  }
.LBB2_2:
0x9d: {  	_ =	swait.ge [sflag:s14], $0x80  }
0x9e: {  	[sflag:s14] =	ssyncset.done $0x0  }
0x9f: {  	[sflag:s14] =	ssyncadd.s32 $0xFFFFFF80  }
0xa0: {  	_ =	swait.ge [sflag:s14], $0x80  }
0xa1: {  	[sflag:s14] =	ssyncset.done $0x0  }
0xa2: {  	[sflag:s14] =	ssyncadd.s32 $0xFFFFFF80  }
0xa3: {  	[tilespmem:s15], [sflag:$0x2] =	stream.indirect.gather [hbm4b:s4+s3], $0x80, s8, s3, $0xb8;
	[tilespmem:$0x1EA00] =	vst v63  }
0xa4: {  	_ = 	snop  }
0xa5: {  	[tilespmem:s17], [sflag:$0x2] =	stream.indirect.gather [hbm4b:s4+s3], $0x80, s16, s3, $0xb8;
	[tilespmem:$0x1EA00] =	vst v63  }
0xa6: {  	_ =	swait.ge [sflag:s19], $0x4000  }
0xa7: {  	[sflag:s19] =	ssyncset.done $0x0  }
0xa8: {  	[sflag:s19] =	ssyncadd.s32 $0xFFFFC000  }
0xa9: {  	[spmem:s1] =	stream.indirect.scatter.add.f32 [tilespmem:s29], [sflag:$0x5], $0x80, s0, s0, $0xb8;
	[tilespmem:$0x1EA00] =	vst v63  }
0xaa: {  	_ =	swait.ge [sflag:s30], $0x4000  }
0xab: {  	[sflag:s30] =	ssyncset.done $0x0  }
0xac: {  	[sflag:s30] =	ssyncadd.s32 $0xFFFFC000  }
0xad: {  	v1 =	vld [tilespmem:$0x80];
	_ =	sdelay $0x7  }
0xae: {  	[tilespmem:v1+s31+$0x0] =	vst.idx.add.f32.msk $0xffff, v0  }
0xaf: {  	v1 =	vld [tilespmem:$0x90];
	_ =	sdelay $0x7  }
0xb0: {  	[tilespmem:v1+s31+$0x0] =	vst.idx.add.f32.msk $0xffff, v0  }
0xb1: {  	v1 =	vld [tilespmem:$0xA0];
	_ =	sdelay $0x7  }
0xb2: {  	[tilespmem:v1+s31+$0x0] =	vst.idx.add.f32.msk $0xffff, v0  }
0xb3: {  	v1 =	vld [tilespmem:$0xB0];
	_ =	sdelay $0x7  }
0xb4: {  	[tilespmem:v1+s31+$0x0] =	vst.idx.add.f32.msk $0xffff, v0  }
0xb5: {  	v1 =	vld [tilespmem:$0xC0];
	_ =	sdelay $0x7  }
0xb6: {  	[tilespmem:v1+s31+$0x0] =	vst.idx.add.f32.msk $0xffff, v0  }
0xb7: {  	v1 =	vld [tilespmem:$0xD0];
	_ =	sdelay $0x7  }
0xb8: {  	[tilespmem:v1+s31+$0x0] =	vst.idx.add.f32.msk $0xffff, v0  }
0xb9: {  	v1 =	vld [tilespmem:$0xE0];
	_ =	sdelay $0x7  }
0xba: {  	[tilespmem:v1+s31+$0x0] =	vst.idx.add.f32.msk $0xffff, v0  }
0xbb: {  	v1 =	vld [tilespmem:$0xF0];
	_ =	sdelay $0x6  }
0xbc: {  	s23 =	sshrl.u32 s28, $0x3  }
0xbd: {  	s9 =	sadd.s32 s5, s23;
	[tilespmem:v1+s31+$0x0] =	vst.idx.add.f32.msk $0xffff, v0  }
0xbe: {  	[tilespmem:s2], [sflag:$0x3] =	stream.linear.gather [hbm4b:s9+s2], $0x80, $0x38;
	[tilespmem:$0x1EA00] =	vst v63  }
0xbf: {  	s23 =	sadd.s32 s6, s23  }
0xc0: {  	[tilespmem:s0], [sflag:$0x3] =	stream.linear.gather [hbm4b:s23+s2], $0x80, $0x38;
	[tilespmem:$0x1EA00] =	vst v63  }
0xc1: {  	_ =	swait.ge [sflag:s20], $0x80  }
0xc2: {  	[sflag:s20] =	ssyncset.done $0x0  }
0xc3: {  	[sflag:s20] =	ssyncadd.s32 $0xFFFFFF80  }
0xc4: {  	_ =	swait.ge [sflag:s20], $0x80  }
0xc5: {  	[sflag:s20] =	ssyncset.done $0x0  }
0xc6: {  	[sflag:s20] =	ssyncadd.s32 $0xFFFFFF80  }
0xc7: {  	[tilespmem:s29], [sflag:$0x1] =	stream.indirect.gather [hbm4b:s4+s3], $0x80, s2, s3, $0xb8;
	[tilespmem:$0x1EA00] =	vst v63  }
0xc8: {  	_ = 	snop  }
0xc9: {  	[tilespmem:s7], [sflag:$0x1] =	stream.indirect.gather [hbm4b:s4+s3], $0x80, s3, s3, $0xb8;
	[tilespmem:$0x1EA00] =	vst v63  }
0xca: {  	_ =	swait.ge [sflag:s21], $0x4000  }
0xcb: {  	[sflag:s21] =	ssyncset.done $0x0  }
0xcc: {  	[sflag:s21] =	ssyncadd.s32 $0xFFFFC000  }
0xcd: {  	[spmem:s1] =	stream.indirect.scatter.add.f32 [tilespmem:s15], [sflag:$0x5], $0x80, s13, s0, $0xb8;
	[tilespmem:$0x1EA00] =	vst v63  }
0xce: {  	_ =	swait.ge [sflag:s30], $0x4000  }
0xcf: {  	[sflag:s30] =	ssyncset.done $0x0  }
0xd0: {  	[sflag:s30] =	ssyncadd.s32 $0xFFFFC000  }
0xd1: {  	v1 =	vld [tilespmem:$0x180];
	_ =	sdelay $0x7  }
0xd2: {  	[tilespmem:v1+s31+$0x0] =	vst.idx.add.f32.msk $0xffff, v0  }
0xd3: {  	v1 =	vld [tilespmem:$0x190];
	_ =	sdelay $0x7  }
0xd4: {  	[tilespmem:v1+s31+$0x0] =	vst.idx.add.f32.msk $0xffff, v0  }
0xd5: {  	v1 =	vld [tilespmem:$0x1A0];
	_ =	sdelay $0x7  }
0xd6: {  	[tilespmem:v1+s31+$0x0] =	vst.idx.add.f32.msk $0xffff, v0  }
0xd7: {  	v1 =	vld [tilespmem:$0x1B0];
	_ =	sdelay $0x7  }
0xd8: {  	[tilespmem:v1+s31+$0x0] =	vst.idx.add.f32.msk $0xffff, v0  }
0xd9: {  	v1 =	vld [tilespmem:$0x1C0];
	_ =	sdelay $0x7  }
0xda: {  	[tilespmem:v1+s31+$0x0] =	vst.idx.add.f32.msk $0xffff, v0  }
0xdb: {  	v1 =	vld [tilespmem:$0x1D0];
	_ =	sdelay $0x7  }
0xdc: {  	[tilespmem:v1+s31+$0x0] =	vst.idx.add.f32.msk $0xffff, v0  }
0xdd: {  	v1 =	vld [tilespmem:$0x1E0];
	_ =	sdelay $0x7  }
0xde: {  	[tilespmem:v1+s31+$0x0] =	vst.idx.add.f32.msk $0xffff, v0  }
0xdf: {  	v1 =	vld [tilespmem:$0x1F0];
	_ =	sdelay $0x2  }
0xe0: {  	p0 =	seq.s32 s24, $0x4C0  }
.Ltmp2:
0xe1: {  	_ = 	snop;
	(pc) =	sbr.rel @p0 .LBB2_4-.Ltmp2, $2  }
0xe2: {  	_ =	sdelay $0x2  }
0xe3: {  	[tilespmem:v1+s31+$0x0] =	vst.idx.add.f32.msk $0xffff, v0  }
.Ltmp3:
0xe4: {  	(pc) =	sbr.rel .LBB2_2-.Ltmp3, $4  }
0xe5: {  	s9 =	sadd.s32 s24, s26  }
0xe6: {  	[tilespmem:s8], [sflag:$0x4] =	stream.linear.gather [hbm4b:s9+s2], $0x80, $0x38;
	[tilespmem:$0x1EA00] =	vst v63  }
0xe7: {  	s23 =	sadd.s32 s24, s25;
	s24 =	sadd.s32 $0x20, s24;
	s28 =	sadd.s32 $0x100, s28  }
0xe8: {  	[tilespmem:s13], [sflag:$0x4] =	stream.linear.gather [hbm4b:s23+s2], $0x80, $0x38;
	[tilespmem:$0x1EA00] =	vst v63  }
.LBB2_5:
0xe9: {  	_ =	sfence.sel $0x180000  }
0xea: {  	[bflag:$0x0] =	sbarrier.arrive $0xFFFF  }
0xeb: {  	_ =	strace $0x90000047  }
0xec: {  	s0 =	stileid.u32;
	[bflag:$0x2] =	sbarrier.arrive $0xFFFF  }
0xed: {  	p0 =	sne.s32 s0, $0x0;
	s0 =	rddreg [dreg:$0x3]  }
0xee: {  	s0 =	sadd.s32 @!p0 $0x100000, s0  }
0xef: {  	[sflag:s0] =	ssyncadd.tile.s32 @!p0 $0x1;
	_ =	shalt  }
.Lfunc_end2:
_tile_overlayer_lowered:
.L_overlay_start_2:
0xf0: {  	(tag) =	ssettag $0x2  }
0xf1: {  	s0 =	rddreg [dreg:$0x0];
	s2 =	stileid.u32  }
0xf2: {  	s1 =	rddreg [dreg:$0x1];
	p0 =	sne.s32 s2, $0x0  }
0xf3: {  	s3 =	rddreg [dreg:$0x2];
	[bflag:$0x3] =	sbarrier.arrive $0xFFFF;
	s2 =	simm.s32 @!p0 $0x1C05  }
0xf4: {  	[timem:s3], [sflag:s2] =	dma.local @!p0 [hbm:s0], s1  }
0xf5: {  	s0 =	simm.s32 @!p0 $0x5  }
0xf6: {  	_ =	swait.ge @!p0 [sflag:s0], s1  }
0xf7: {  	s1 =	ssub.s32 @!p0 $0x0, s1;
	[sflag:s0] =	ssyncset.done @!p0 $0x0  }
0xf8: {  	[sflag:s0] =	ssyncadd.s32 @!p0 s1  }
0xf9: {  	[bflag:$0x3] =	sbarrier.arrive $0xFFFF  }
0xfa: {  	_ =	shalt  }

</sc_bundles>
